<compile_context>
chip_gen: v7x
topology: tpu7x:2x2x1
jax: 0.10.2.dev20260603
libtpu: 0.0.44.dev20260713+nightly
codegen_flags: <defaults>
</compile_context>

<pallas_src>
import jax
import jax.numpy as jnp
from jax import lax
from jax.experimental import pallas as pl
from jax.experimental.pallas import tpu as pltpu
from jax.experimental.pallas import tpu_sc as plsc

N_ROWS = 320000
N_SEG = 10000
D_IN = 128
D_HID = 128
N_OUT = 2

LANES = 128
NUM_CORES = 2
NUM_SUBCORES = 16
NUM_WORKERS = NUM_CORES * NUM_SUBCORES
SEG_CHUNK = 1000
IZROWS = 640
IZLAST = N_SEG - 15 * IZROWS

C_CHUNKS = 1
CH_ROWS = N_ROWS // C_CHUNKS
CH_GROUPS = CH_ROWS // LANES
CG_BASE = CH_GROUPS // NUM_WORKERS
CG_REM = CH_GROUPS % NUM_WORKERS

MM_BLOCK = 6400
TAIL_BLOCK = 2000


def _mm_body(x_ref, w_ref, b_ref, o_ref):
    acc = jnp.dot(x_ref[...], w_ref[...], preferred_element_type=jnp.float32)
    o_ref[...] = jnp.maximum(acc + b_ref[...], 0.0)


NBUF = 3
LAG = 2


def _make_seg_body(chunk):
    def _seg_body(h_hbm, seg_hbm, z2_hbm, z1_hbm, sums_hbm, cnts_hbm,
                  data0_v, data1_v, data2_v, idx_v, ones_v, z1_v,
                  semd0, semd1, semd2, semi0, semi1, semi2,
                  semS, semC, sums_sh, cnts_sh):
        c = lax.axis_index("c")
        s = lax.axis_index("s")
        w = s * NUM_CORES + c
        data = (data0_v, data1_v, data2_v)
        semd = (semd0, semd1, semd2)
        semi = (semi0, semi1, semi2)

        for j in range(LANES // 16):
            ones_v[pl.ds(j * 16, 16)] = jnp.ones((16,), jnp.float32)

        @pl.when(s < 15)
        def _():
            pltpu.sync_copy(z2_hbm, sums_sh.at[pl.ds(s * IZROWS, IZROWS)])

        @pl.when(s == 15)
        def _():
            pltpu.sync_copy(z2_hbm.at[pl.ds(0, IZLAST)],
                            sums_sh.at[pl.ds(15 * IZROWS, IZLAST)])

        @pl.when(s < N_SEG // SEG_CHUNK)
        def _():
            pltpu.sync_copy(z1_hbm, z1_v)
            for j, n in enumerate([LANES] * 7 + [SEG_CHUNK - 7 * LANES]):
                pltpu.sync_copy(
                    z1_v.at[pl.ds(0, n)],
                    cnts_sh.at[pl.ds(s * SEG_CHUNK + j * LANES, n)])

        plsc.subcore_barrier()

        ng = CG_BASE + jnp.where(w < CG_REM, 1, 0)
        base = chunk * CH_GROUPS + w * CG_BASE + jnp.minimum(w, CG_REM)

        def start_group(slot, i):
            g = base + i
            pltpu.async_copy(
                h_hbm.at[pl.ds((g - chunk * CH_GROUPS) * LANES, LANES)],
                data[slot], semd[slot])
            pltpu.async_copy(seg_hbm.at[pl.ds(g * LANES, LANES)],
                             idx_v.at[slot], semi[slot])

        def wait_group(slot):
            pltpu.make_async_copy(h_hbm.at[pl.ds(0, LANES)],
                                  data[slot], semd[slot]).wait()
            pltpu.make_async_copy(seg_hbm.at[pl.ds(0, LANES)],
                                  idx_v.at[slot], semi[slot]).wait()

        def fire(slot):
            idx = idx_v.at[slot]
            pltpu.async_copy(data[slot], sums_sh.at[idx], semS, add=True)
            pltpu.async_copy(ones_v, cnts_sh.at[idx], semC, add=True)

        def drain_pair():
            pltpu.make_async_copy(data[0], sums_sh.at[pl.ds(0, LANES)],
                                  semS).wait()
            pltpu.make_async_copy(ones_v, cnts_sh.at[pl.ds(0, LANES)],
                                  semC).wait()

        for j in range(NBUF):
            @pl.when(j < ng)
            def _(j=j):
                start_group(j, j)

        def body(i4, carry):
            for j in range(NBUF):
                i = i4 * NBUF + j

                @pl.when(i < ng)
                def _(i=i, j=j):
                    @pl.when(i >= LAG)
                    def _():
                        drain_pair()
                        jj = (j + NBUF - LAG) % NBUF

                        @pl.when(i - LAG + NBUF < ng)
                        def _():
                            start_group(jj, i - LAG + NBUF)

                    wait_group(j)
                    fire(j)

            return carry

        lax.fori_loop(0, (CG_BASE + NBUF) // NBUF, body, 0)

        for _ in range(LAG):
            drain_pair()

        plsc.subcore_barrier()

        @pl.when(s < 5)
        def _():
            sl2 = pl.ds(s * 2000, 2000)
            pltpu.sync_copy(sums_sh.at[sl2], sums_hbm.at[c, sl2])

        @pl.when(s < N_SEG // SEG_CHUNK)
        def _():
            for j, n in enumerate([LANES] * 7 + [SEG_CHUNK - 7 * LANES]):
                off = s * SEG_CHUNK + j * LANES
                pltpu.sync_copy(cnts_sh.at[pl.ds(off, n)],
                                z1_v.at[pl.ds(0, n)])
                pltpu.sync_copy(z1_v.at[pl.ds(0, n)],
                                cnts_hbm.at[pl.ds(c * N_SEG + off, n)])

    return _seg_body


def _tail_body(*refs):
    sums_refs = refs[:C_CHUNKS]
    cnt_refs = refs[C_CHUNKS:2 * C_CHUNKS]
    w2_ref, b2_ref, w3_ref, b3_ref, w4_ref, b4_ref = refs[2 * C_CHUNKS:-2]
    logits_ref, probs_ref = refs[-2:]

    f32 = jnp.float32
    s = sums_refs[0][0].astype(f32) + sums_refs[0][1].astype(f32)
    cnt = cnt_refs[0][:, 0] + cnt_refs[0][:, 1]
    for k in range(1, C_CHUNKS):
        s = s + sums_refs[k][0].astype(f32) + sums_refs[k][1].astype(f32)
        cnt = cnt + cnt_refs[k][:, 0] + cnt_refs[k][:, 1]

    x = jnp.dot(s, w2_ref[...], preferred_element_type=jnp.float32)
    x = x / jnp.maximum(cnt, 1.0)[:, None]
    x = x + b2_ref[...] * jnp.where(cnt > 0.0, 1.0, 0.0)[:, None]
    x = jnp.dot(x, w3_ref[...], preferred_element_type=jnp.float32)
    x = jnp.maximum(x + b3_ref[...], 0.0)
    l = jnp.dot(x, w4_ref[...], preferred_element_type=jnp.float32)
    l = l + b4_ref[...]
    m = jnp.max(l, axis=-1, keepdims=True)
    e = jnp.exp(l - m)
    p = e / jnp.sum(e, axis=-1, keepdims=True)
    logits_ref[...] = l
    probs_ref[...] = p


def kernel(features, segments, W1, b1, W2, b2, W3, b3, W4, b4):
    f32 = jnp.float32
    bf16 = jnp.bfloat16

    zeros2 = jnp.zeros((IZROWS, D_HID), f32)
    zeros1 = jnp.zeros((LANES,), f32)

    partial_sums, partial_cnts = [], []
    for k in range(C_CHUNKS):
        h_k = pl.pallas_call(
            _mm_body,
            grid=(CH_ROWS // MM_BLOCK,),
            in_specs=[
                pl.BlockSpec((MM_BLOCK, D_IN),
                             lambda i, k=k: (i + k * (CH_ROWS // MM_BLOCK), 0)),
                pl.BlockSpec((D_IN, D_HID), lambda i: (0, 0)),
                pl.BlockSpec((1, D_HID), lambda i: (0, 0)),
            ],
            out_specs=pl.BlockSpec((MM_BLOCK, D_HID), lambda i: (i, 0)),
            out_shape=jax.ShapeDtypeStruct((CH_ROWS, D_HID), f32),
        )(features, W1, b1.reshape(1, D_HID))

        s_k, c_k = pl.kernel(
            _make_seg_body(k),
            out_type=(
                jax.ShapeDtypeStruct((NUM_CORES, N_SEG, D_HID), f32),
                jax.ShapeDtypeStruct((NUM_CORES * N_SEG,), f32),
            ),
            mesh=plsc.VectorSubcoreMesh(core_axis_name="c",
                                        subcore_axis_name="s"),
            scratch_types=[
                pltpu.VMEM((LANES, D_HID), f32),
                pltpu.VMEM((LANES, D_HID), f32),
                pltpu.VMEM((LANES, D_HID), f32),
                pltpu.VMEM((NBUF, LANES), jnp.int32),
                pltpu.VMEM((LANES,), f32),
                pltpu.VMEM((LANES,), f32),
                pltpu.SemaphoreType.DMA,
                pltpu.SemaphoreType.DMA,
                pltpu.SemaphoreType.DMA,
                pltpu.SemaphoreType.DMA,
                pltpu.SemaphoreType.DMA,
                pltpu.SemaphoreType.DMA,
                pltpu.SemaphoreType.DMA,
                pltpu.SemaphoreType.DMA,
                pltpu.VMEM_SHARED((N_SEG, D_HID), f32),
                pltpu.VMEM_SHARED((N_SEG,), f32),
            ],
        )(h_k, segments, zeros2, zeros1)
        partial_sums.append(s_k)
        partial_cnts.append(c_k.reshape(NUM_CORES, N_SEG).T)

    sums_specs = [pl.BlockSpec((NUM_CORES, TAIL_BLOCK, D_HID),
                               lambda i: (0, i, 0)) for _ in range(C_CHUNKS)]
    cnt_specs = [pl.BlockSpec((TAIL_BLOCK, NUM_CORES), lambda i: (i, 0))
                 for _ in range(C_CHUNKS)]

    logits, probs = pl.pallas_call(
        _tail_body,
        grid=(N_SEG // TAIL_BLOCK,),
        in_specs=sums_specs + cnt_specs + [
            pl.BlockSpec((D_HID, D_HID), lambda i: (0, 0)),
            pl.BlockSpec((1, D_HID), lambda i: (0, 0)),
            pl.BlockSpec((D_HID, D_HID), lambda i: (0, 0)),
            pl.BlockSpec((1, D_HID), lambda i: (0, 0)),
            pl.BlockSpec((D_HID, N_OUT), lambda i: (0, 0)),
            pl.BlockSpec((1, N_OUT), lambda i: (0, 0)),
        ],
        out_specs=[
            pl.BlockSpec((TAIL_BLOCK, N_OUT), lambda i: (i, 0)),
            pl.BlockSpec((TAIL_BLOCK, N_OUT), lambda i: (i, 0)),
        ],
        out_shape=[
            jax.ShapeDtypeStruct((N_SEG, N_OUT), f32),
            jax.ShapeDtypeStruct((N_SEG, N_OUT), f32),
        ],
    )(*partial_sums, *partial_cnts, W2, b2.reshape(1, D_HID),
      W3, b3.reshape(1, D_HID), W4, b4.reshape(1, N_OUT))

    return (logits, probs)

# --- scband reference (transcript-rebuilt; emitter-appended) ---
"""Pipeline reference for scband-my-model-87454124082155 (READ-ONLY COPY).

The authoritative reference and input builder live on the scoring server;
editing this copy changes nothing except your own understanding.
"""

import jax, jax.numpy as jnp
import numpy as np

NUM_SEGMENTS = 10000
N = 320000
D = 128
K = 128


def setup_inputs(seed: int = 0) -> dict:
    key = jax.random.key(seed)
    ks = jax.random.split(key, 10)
    features = jax.random.normal(ks[0], (N, D), dtype=jnp.float32)
    segments = jnp.sort(jax.random.randint(ks[1], (N,), 0, NUM_SEGMENTS, dtype=jnp.int32))
    # Dense layer parameters (Glorot-ish scale)
    W1 = jax.random.normal(ks[2], (D, K), dtype=jnp.float32) * (1.0 / np.sqrt(D))
    b1 = jnp.zeros((K,), dtype=jnp.float32)
    W2 = jax.random.normal(ks[3], (K, K), dtype=jnp.float32) * (1.0 / np.sqrt(K))
    b2 = jnp.zeros((K,), dtype=jnp.float32)
    W3 = jax.random.normal(ks[4], (K, K), dtype=jnp.float32) * (1.0 / np.sqrt(K))
    b3 = jnp.zeros((K,), dtype=jnp.float32)
    W4 = jax.random.normal(ks[5], (K, 2), dtype=jnp.float32) * (1.0 / np.sqrt(K))
    b4 = jnp.zeros((2,), dtype=jnp.float32)
    return {"features": features, "segments": segments,
            "W1": W1, "b1": b1, "W2": W2, "b2": b2,
            "W3": W3, "b3": b3, "W4": W4, "b4": b4}


def reference(features, segments, W1, b1, W2, b2, W3, b3, W4, b4):
    # dense1 (relu) -> dense2 (linear)
    x = jax.nn.relu(features @ W1 + b1)
    x = x @ W2 + b2
    # tf.math.segment_mean: sorted segment ids, mean per segment (0 for empty)
    sums = jax.ops.segment_sum(x, segments, num_segments=NUM_SEGMENTS)
    counts = jax.ops.segment_sum(jnp.ones((x.shape[0],), dtype=x.dtype), segments, num_segments=NUM_SEGMENTS)
    x = sums / jnp.maximum(counts, 1.0)[:, None]
    # dense3 (relu) -> logits -> softmax
    x = jax.nn.relu(x @ W3 + b3)
    logits = x @ W4 + b4
    probs = jax.nn.softmax(logits, axis=-1)
    return (logits, probs)

if __name__ == "__main__":
    import jax
    _d = setup_inputs()
    print(jax.jit(kernel)(*tuple(_d.values())))

</pallas_src>

<mosaic_0001>
#map = affine_map<(d0, d1) -> (0, 0)>
#map1 = affine_map<(d0, d1) -> (0)>
#map2 = affine_map<(d0, d1) -> (0, 0, 0)>
module attributes {stable_mosaic.version = 14 : i64} {
  func.func @_seg_body(%arg0: i32, %arg1: i32, %arg2: memref<320000x128xf32, #tpu.memory_space<hbm>>, %arg3: memref<320000xi32, #tpu.memory_space<hbm>>, %arg4: memref<640x128xf32, #tpu.memory_space<hbm>>, %arg5: memref<128xf32, #tpu.memory_space<hbm>>, %arg6: memref<2x10000x128xf32, #tpu.memory_space<hbm>>, %arg7: memref<20000xf32, #tpu.memory_space<hbm>>, %arg8: memref<128x128xf32, #tpu.memory_space<vmem>>, %arg9: memref<128x128xf32, #tpu.memory_space<vmem>>, %arg10: memref<128x128xf32, #tpu.memory_space<vmem>>, %arg11: memref<3x128xi32, #tpu.memory_space<vmem>>, %arg12: memref<128xf32, #tpu.memory_space<vmem>>, %arg13: memref<128xf32, #tpu.memory_space<vmem>>, %arg14: memref<!tpu.dma_semaphore, #tpu.memory_space<semaphore_mem>>, %arg15: memref<!tpu.dma_semaphore, #tpu.memory_space<semaphore_mem>>, %arg16: memref<!tpu.dma_semaphore, #tpu.memory_space<semaphore_mem>>, %arg17: memref<!tpu.dma_semaphore, #tpu.memory_space<semaphore_mem>>, %arg18: memref<!tpu.dma_semaphore, #tpu.memory_space<semaphore_mem>>, %arg19: memref<!tpu.dma_semaphore, #tpu.memory_space<semaphore_mem>>, %arg20: memref<!tpu.dma_semaphore, #tpu.memory_space<semaphore_mem>>, %arg21: memref<!tpu.dma_semaphore, #tpu.memory_space<semaphore_mem>>, %arg22: memref<10000x128xf32, #tpu.memory_space<vmem_shared>>, %arg23: memref<10000xf32, #tpu.memory_space<vmem_shared>>) attributes {dimension_semantics = [#tpu.dimension_semantics<core_parallel>, #tpu.dimension_semantics<subcore_parallel>], iteration_bounds = array<i64: 2, 16>, scalar_prefetch = 0 : i64, scratch_operands = 16 : i64, tpu.core_type = #tpu.core_type<sc_vector_subcore>, window_params = [{transform_indices = #map}, {transform_indices = #map1}, {transform_indices = #map}, {transform_indices = #map1}, {transform_indices = #map2}, {transform_indices = #map1}]} {
    %mul3A = arith.constant 2 : i32
    %mul3A_0 = arith.muli %arg1, %mul3A : i32
    %add3A = arith.addi %mul3A_0, %arg0 : i32
    %broadcast_in_dim3A = arith.constant 1.000000e+00 : f32
    %broadcast_in_dim3A_1 = vector.broadcast %broadcast_in_dim3A : f32 to vector<16xf32>
    %swap3A = arith.constant 0 : index
    %swap3A_2 = tpu.vector_load %arg12[%swap3A] {strides = array<i32>} : memref<128xf32, #tpu.memory_space<vmem>>, vector<16xf32>,
    %swap3A_3 = vector.shape_cast %swap3A_2 : vector<16xf32> to vector<16xf32>
    %swap3A_4 = vector.shape_cast %broadcast_in_dim3A_1 : vector<16xf32> to vector<16xf32>
    tpu.vector_store %arg12[%swap3A], %swap3A_4 {strides = array<i32>} : memref<128xf32, #tpu.memory_space<vmem>>, vector<16xf32>,
    %broadcast_in_dim3A_5 = arith.constant 1.000000e+00 : f32
    %broadcast_in_dim3A_6 = vector.broadcast %broadcast_in_dim3A_5 : f32 to vector<16xf32>
    %swap3A_7 = arith.constant 16 : index
    %swap3A_8 = tpu.vector_load %arg12[%swap3A_7] {strides = array<i32>} : memref<128xf32, #tpu.memory_space<vmem>>, vector<16xf32>,
    %swap3A_9 = vector.shape_cast %swap3A_8 : vector<16xf32> to vector<16xf32>
    %swap3A_10 = vector.shape_cast %broadcast_in_dim3A_6 : vector<16xf32> to vector<16xf32>
    tpu.vector_store %arg12[%swap3A_7], %swap3A_10 {strides = array<i32>} : memref<128xf32, #tpu.memory_space<vmem>>, vector<16xf32>,
    %broadcast_in_dim3A_11 = arith.constant 1.000000e+00 : f32
    %broadcast_in_dim3A_12 = vector.broadcast %broadcast_in_dim3A_11 : f32 to vector<16xf32>
    %swap3A_13 = arith.constant 32 : index
    %swap3A_14 = tpu.vector_load %arg12[%swap3A_13] {strides = array<i32>} : memref<128xf32, #tpu.memory_space<vmem>>, vector<16xf32>,
    %swap3A_15 = vector.shape_cast %swap3A_14 : vector<16xf32> to vector<16xf32>
    %swap3A_16 = vector.shape_cast %broadcast_in_dim3A_12 : vector<16xf32> to vector<16xf32>
    tpu.vector_store %arg12[%swap3A_13], %swap3A_16 {strides = array<i32>} : memref<128xf32, #tpu.memory_space<vmem>>, vector<16xf32>,
    %broadcast_in_dim3A_17 = arith.constant 1.000000e+00 : f32
    %broadcast_in_dim3A_18 = vector.broadcast %broadcast_in_dim3A_17 : f32 to vector<16xf32>
    %swap3A_19 = arith.constant 48 : index
    %swap3A_20 = tpu.vector_load %arg12[%swap3A_19] {strides = array<i32>} : memref<128xf32, #tpu.memory_space<vmem>>, vector<16xf32>,
    %swap3A_21 = vector.shape_cast %swap3A_20 : vector<16xf32> to vector<16xf32>
    %swap3A_22 = vector.shape_cast %broadcast_in_dim3A_18 : vector<16xf32> to vector<16xf32>
    tpu.vector_store %arg12[%swap3A_19], %swap3A_22 {strides = array<i32>} : memref<128xf32, #tpu.memory_space<vmem>>, vector<16xf32>,
    %broadcast_in_dim3A_23 = arith.constant 1.000000e+00 : f32
    %broadcast_in_dim3A_24 = vector.broadcast %broadcast_in_dim3A_23 : f32 to vector<16xf32>
    %swap3A_25 = arith.constant 64 : index
    %swap3A_26 = tpu.vector_load %arg12[%swap3A_25] {strides = array<i32>} : memref<128xf32, #tpu.memory_space<vmem>>, vector<16xf32>,
    %swap3A_27 = vector.shape_cast %swap3A_26 : vector<16xf32> to vector<16xf32>
    %swap3A_28 = vector.shape_cast %broadcast_in_dim3A_24 : vector<16xf32> to vector<16xf32>
    tpu.vector_store %arg12[%swap3A_25], %swap3A_28 {strides = array<i32>} : memref<128xf32, #tpu.memory_space<vmem>>, vector<16xf32>,
    %broadcast_in_dim3A_29 = arith.constant 1.000000e+00 : f32
    %broadcast_in_dim3A_30 = vector.broadcast %broadcast_in_dim3A_29 : f32 to vector<16xf32>
    %swap3A_31 = arith.constant 80 : index
    %swap3A_32 = tpu.vector_load %arg12[%swap3A_31] {strides = array<i32>} : memref<128xf32, #tpu.memory_space<vmem>>, vector<16xf32>,
    %swap3A_33 = vector.shape_cast %swap3A_32 : vector<16xf32> to vector<16xf32>
    %swap3A_34 = vector.shape_cast %broadcast_in_dim3A_30 : vector<16xf32> to vector<16xf32>
    tpu.vector_store %arg12[%swap3A_31], %swap3A_34 {strides = array<i32>} : memref<128xf32, #tpu.memory_space<vmem>>, vector<16xf32>,
    %broadcast_in_dim3A_35 = arith.constant 1.000000e+00 : f32
    %broadcast_in_dim3A_36 = vector.broadcast %broadcast_in_dim3A_35 : f32 to vector<16xf32>
    %swap3A_37 = arith.constant 96 : index
    %swap3A_38 = tpu.vector_load %arg12[%swap3A_37] {strides = array<i32>} : memref<128xf32, #tpu.memory_space<vmem>>, vector<16xf32>,
    %swap3A_39 = vector.shape_cast %swap3A_38 : vector<16xf32> to vector<16xf32>
    %swap3A_40 = vector.shape_cast %broadcast_in_dim3A_36 : vector<16xf32> to vector<16xf32>
    tpu.vector_store %arg12[%swap3A_37], %swap3A_40 {strides = array<i32>} : memref<128xf32, #tpu.memory_space<vmem>>, vector<16xf32>,
    %broadcast_in_dim3A_41 = arith.constant 1.000000e+00 : f32
    %broadcast_in_dim3A_42 = vector.broadcast %broadcast_in_dim3A_41 : f32 to vector<16xf32>
    %swap3A_43 = arith.constant 112 : index
    %swap3A_44 = tpu.vector_load %arg12[%swap3A_43] {strides = array<i32>} : memref<128xf32, #tpu.memory_space<vmem>>, vector<16xf32>,
    %swap3A_45 = vector.shape_cast %swap3A_44 : vector<16xf32> to vector<16xf32>
    %swap3A_46 = vector.shape_cast %broadcast_in_dim3A_42 : vector<16xf32> to vector<16xf32>
    tpu.vector_store %arg12[%swap3A_43], %swap3A_46 {strides = array<i32>} : memref<128xf32, #tpu.memory_space<vmem>>, vector<16xf32>,
    %lt3A = arith.constant 15 : i32
    %lt3A_47 = arith.cmpi slt, %arg1, %lt3A : i32
    %convert_element_type3A = arith.extui %lt3A_47 : i1 to i32
    %cond3A = arith.constant 0 : i32
    %cond3A_48 = arith.cmpi ne, %convert_element_type3A, %cond3A : i32
    scf.if %cond3A_48 {
      %mul3A_118 = arith.constant 640 : i32
      %mul3A_119 = arith.muli %arg1, %mul3A_118 : i32
      "tpu.region"() ({
        %run_scoped3A = tpu.sem_alloc : memref<!tpu.dma_semaphore, #tpu.memory_space<semaphore_mem>>
        %dma_start3A = arith.constant 0 : i32
        %dma_start3A_120 = tpu.memref_slice %arg22[%mul3A_119, %dma_start3A] : memref<10000x128xf32, #tpu.memory_space<vmem_shared>> -> memref<640x128xf32, #tpu.memory_space<vmem_shared>>
        tpu.enqueue_dma source(%arg4 : memref<640x128xf32, #tpu.memory_space<hbm>>) target(%dma_start3A_120 : memref<640x128xf32, #tpu.memory_space<vmem_shared>>) target_semaphore(%run_scoped3A : memref<!tpu.dma_semaphore, #tpu.memory_space<semaphore_mem>>)
        %dma_wait3A_121 = arith.constant 0 : i32
        %dma_wait3A_122 = tpu.memref_slice %arg22[%mul3A_119, %dma_wait3A_121] : memref<10000x128xf32, #tpu.memory_space<vmem_shared>> -> memref<640x128xf32, #tpu.memory_space<vmem_shared>>
        tpu.wait_dma2 semaphore(%run_scoped3A : memref<!tpu.dma_semaphore, #tpu.memory_space<semaphore_mem>>) src(%arg4 : memref<640x128xf32, #tpu.memory_space<hbm>>) dst(%dma_wait3A_122 : memref<640x128xf32, #tpu.memory_space<vmem_shared>>)
        tpu.yield
      }) : () -> ()
    } else {
    }
    %eq3A = arith.constant 15 : i32
    %eq3A_49 = arith.cmpi eq, %arg1, %eq3A : i32
    %convert_element_type3A_50 = arith.extui %eq3A_49 : i1 to i32
    %cond3A_51 = arith.constant 0 : i32
    %cond3A_52 = arith.cmpi ne, %convert_element_type3A_50, %cond3A_51 : i32
    scf.if %cond3A_52 {
      "tpu.region"() ({
        %run_scoped3A = tpu.sem_alloc : memref<!tpu.dma_semaphore, #tpu.memory_space<semaphore_mem>>
        %dma_start3A = arith.constant 9600 : i32
        %dma_start3A_118 = arith.constant 0 : i32
        %dma_start3A_119 = tpu.memref_slice %arg22[%dma_start3A, %dma_start3A_118] : memref<10000x128xf32, #tpu.memory_space<vmem_shared>> -> memref<400x128xf32, #tpu.memory_space<vmem_shared>>
        %dma_start3A_120 = arith.constant 0 : i32
        %dma_start3A_121 = arith.constant 0 : i32
        %dma_start3A_122 = tpu.memref_slice %arg4[%dma_start3A_120, %dma_start3A_121] : memref<640x128xf32, #tpu.memory_space<hbm>> -> memref<400x128xf32, #tpu.memory_space<hbm>>
        tpu.enqueue_dma source(%dma_start3A_122 : memref<400x128xf32, #tpu.memory_space<hbm>>) target(%dma_start3A_119 : memref<400x128xf32, #tpu.memory_space<vmem_shared>>) target_semaphore(%run_scoped3A : memref<!tpu.dma_semaphore, #tpu.memory_space<semaphore_mem>>)
        %dma_wait3A_123 = arith.constant 9600 : i32
        %dma_wait3A_124 = arith.constant 0 : i32
        %dma_wait3A_125 = tpu.memref_slice %arg22[%dma_wait3A_123, %dma_wait3A_124] : memref<10000x128xf32, #tpu.memory_space<vmem_shared>> -> memref<400x128xf32, #tpu.memory_space<vmem_shared>>
        %dma_wait3A_126 = arith.constant 0 : i32
        %dma_wait3A_127 = arith.constant 0 : i32
        %dma_wait3A_128 = tpu.memref_slice %arg4[%dma_wait3A_126, %dma_wait3A_127] : memref<640x128xf32, #tpu.memory_space<hbm>> -> memref<400x128xf32, #tpu.memory_space<hbm>>
        tpu.wait_dma2 semaphore(%run_scoped3A : memref<!tpu.dma_semaphore, #tpu.memory_space<semaphore_mem>>) src(%dma_wait3A_128 : memref<400x128xf32, #tpu.memory_space<hbm>>) dst(%dma_wait3A_125 : memref<400x128xf32, #tpu.memory_space<vmem_shared>>)
        tpu.yield
      }) : () -> ()
    } else {
    }
    %lt3A_53 = arith.constant 10 : i32
    %lt3A_54 = arith.cmpi slt, %arg1, %lt3A_53 : i32
    %convert_element_type3A_55 = arith.extui %lt3A_54 : i1 to i32
    %cond3A_56 = arith.constant 0 : i32
    %cond3A_57 = arith.cmpi ne, %convert_element_type3A_55, %cond3A_56 : i32
    scf.if %cond3A_57 {
      "tpu.region"() ({
        %run_scoped3A = tpu.sem_alloc : memref<!tpu.dma_semaphore, #tpu.memory_space<semaphore_mem>>
        tpu.enqueue_dma source(%arg5 : memref<128xf32, #tpu.memory_space<hbm>>) target(%arg13 : memref<128xf32, #tpu.memory_space<vmem>>) target_semaphore(%run_scoped3A : memref<!tpu.dma_semaphore, #tpu.memory_space<semaphore_mem>>)
        tpu.wait_dma2 semaphore(%run_scoped3A : memref<!tpu.dma_semaphore, #tpu.memory_space<semaphore_mem>>) src(%arg5 : memref<128xf32, #tpu.memory_space<hbm>>) dst(%arg13 : memref<128xf32, #tpu.memory_space<vmem>>)
        tpu.yield
      }) : () -> ()
      %mul3A_118 = arith.constant 1000 : i32
      %mul3A_119 = arith.muli %arg1, %mul3A_118 : i32
      %add3A_120 = arith.constant 0 : i32
      %add3A_121 = arith.addi %mul3A_119, %add3A_120 : i32
      "tpu.region"() ({
        %run_scoped3A = tpu.sem_alloc : memref<!tpu.dma_semaphore, #tpu.memory_space<semaphore_mem>>
        %dma_start3A = arith.constant 0 : i32
        %dma_start3A_150 = tpu.memref_slice %arg13[%dma_start3A] : memref<128xf32, #tpu.memory_space<vmem>> -> memref<128xf32, #tpu.memory_space<vmem>>
        %dma_start3A_151 = tpu.memref_slice %arg23[%add3A_121] : memref<10000xf32, #tpu.memory_space<vmem_shared>> -> memref<128xf32, #tpu.memory_space<vmem_shared>>
        %dma_start3A_152 = tpu.memref_slice %arg23[%add3A_121] : memref<10000xf32, #tpu.memory_space<vmem_shared>> -> memref<128xf32, #tpu.memory_space<vmem_shared>>
        %dma_start3A_153 = arith.constant 0 : i32
        %dma_start3A_154 = tpu.memref_slice %arg13[%dma_start3A_153] : memref<128xf32, #tpu.memory_space<vmem>> -> memref<128xf32, #tpu.memory_space<vmem>>
        tpu.enqueue_dma source(%dma_start3A_154 : memref<128xf32, #tpu.memory_space<vmem>>) target(%dma_start3A_152 : memref<128xf32, #tpu.memory_space<vmem_shared>>) target_semaphore(%run_scoped3A : memref<!tpu.dma_semaphore, #tpu.memory_space<semaphore_mem>>)
        %dma_wait3A_155 = arith.constant 0 : i32
        %dma_wait3A_156 = tpu.memref_slice %arg13[%dma_wait3A_155] : memref<128xf32, #tpu.memory_space<vmem>> -> memref<128xf32, #tpu.memory_space<vmem>>
        %dma_wait3A_157 = tpu.memref_slice %arg23[%add3A_121] : memref<10000xf32, #tpu.memory_space<vmem_shared>> -> memref<128xf32, #tpu.memory_space<vmem_shared>>
        %dma_wait3A_158 = tpu.memref_slice %arg23[%add3A_121] : memref<10000xf32, #tpu.memory_space<vmem_shared>> -> memref<128xf32, #tpu.memory_space<vmem_shared>>
        %dma_wait3A_159 = arith.constant 0 : i32
        %dma_wait3A_160 = tpu.memref_slice %arg13[%dma_wait3A_159] : memref<128xf32, #tpu.memory_space<vmem>> -> memref<128xf32, #tpu.memory_space<vmem>>
        tpu.wait_dma2 semaphore(%run_scoped3A : memref<!tpu.dma_semaphore, #tpu.memory_space<semaphore_mem>>) src(%dma_wait3A_160 : memref<128xf32, #tpu.memory_space<vmem>>) dst(%dma_wait3A_158 : memref<128xf32, #tpu.memory_space<vmem_shared>>)
        tpu.yield
      }) : () -> ()
      %mul3A_122 = arith.constant 1000 : i32
      %mul3A_123 = arith.muli %arg1, %mul3A_122 : i32
      %add3A_124 = arith.constant 128 : i32
      %add3A_125 = arith.addi %mul3A_123, %add3A_124 : i32
      "tpu.region"() ({
        %run_scoped3A = tpu.sem_alloc : memref<!tpu.dma_semaphore, #tpu.memory_space<semaphore_mem>>
        %dma_start3A = arith.constant 0 : i32
        %dma_start3A_150 = tpu.memref_slice %arg13[%dma_start3A] : memref<128xf32, #tpu.memory_space<vmem>> -> memref<128xf32, #tpu.memory_space<vmem>>
        %dma_start3A_151 = tpu.memref_slice %arg23[%add3A_125] : memref<10000xf32, #tpu.memory_space<vmem_shared>> -> memref<128xf32, #tpu.memory_space<vmem_shared>>
        %dma_start3A_152 = tpu.memref_slice %arg23[%add3A_125] : memref<10000xf32, #tpu.memory_space<vmem_shared>> -> memref<128xf32, #tpu.memory_space<vmem_shared>>
        %dma_start3A_153 = arith.constant 0 : i32
        %dma_start3A_154 = tpu.memref_slice %arg13[%dma_start3A_153] : memref<128xf32, #tpu.memory_space<vmem>> -> memref<128xf32, #tpu.memory_space<vmem>>
        tpu.enqueue_dma source(%dma_start3A_154 : memref<128xf32, #tpu.memory_space<vmem>>) target(%dma_start3A_152 : memref<128xf32, #tpu.memory_space<vmem_shared>>) target_semaphore(%run_scoped3A : memref<!tpu.dma_semaphore, #tpu.memory_space<semaphore_mem>>)
        %dma_wait3A_155 = arith.constant 0 : i32
        %dma_wait3A_156 = tpu.memref_slice %arg13[%dma_wait3A_155] : memref<128xf32, #tpu.memory_space<vmem>> -> memref<128xf32, #tpu.memory_space<vmem>>
        %dma_wait3A_157 = tpu.memref_slice %arg23[%add3A_125] : memref<10000xf32, #tpu.memory_space<vmem_shared>> -> memref<128xf32, #tpu.memory_space<vmem_shared>>
        %dma_wait3A_158 = tpu.memref_slice %arg23[%add3A_125] : memref<10000xf32, #tpu.memory_space<vmem_shared>> -> memref<128xf32, #tpu.memory_space<vmem_shared>>
        %dma_wait3A_159 = arith.constant 0 : i32
        %dma_wait3A_160 = tpu.memref_slice %arg13[%dma_wait3A_159] : memref<128xf32, #tpu.memory_space<vmem>> -> memref<128xf32, #tpu.memory_space<vmem>>
        tpu.wait_dma2 semaphore(%run_scoped3A : memref<!tpu.dma_semaphore, #tpu.memory_space<semaphore_mem>>) src(%dma_wait3A_160 : memref<128xf32, #tpu.memory_space<vmem>>) dst(%dma_wait3A_158 : memref<128xf32, #tpu.memory_space<vmem_shared>>)
        tpu.yield
      }) : () -> ()
      %mul3A_126 = arith.constant 1000 : i32
      %mul3A_127 = arith.muli %arg1, %mul3A_126 : i32
      %add3A_128 = arith.constant 256 : i32
      %add3A_129 = arith.addi %mul3A_127, %add3A_128 : i32
      "tpu.region"() ({
        %run_scoped3A = tpu.sem_alloc : memref<!tpu.dma_semaphore, #tpu.memory_space<semaphore_mem>>
        %dma_start3A = arith.constant 0 : i32
        %dma_start3A_150 = tpu.memref_slice %arg13[%dma_start3A] : memref<128xf32, #tpu.memory_space<vmem>> -> memref<128xf32, #tpu.memory_space<vmem>>
        %dma_start3A_151 = tpu.memref_slice %arg23[%add3A_129] : memref<10000xf32, #tpu.memory_space<vmem_shared>> -> memref<128xf32, #tpu.memory_space<vmem_shared>>
        %dma_start3A_152 = tpu.memref_slice %arg23[%add3A_129] : memref<10000xf32, #tpu.memory_space<vmem_shared>> -> memref<128xf32, #tpu.memory_space<vmem_shared>>
        %dma_start3A_153 = arith.constant 0 : i32
        %dma_start3A_154 = tpu.memref_slice %arg13[%dma_start3A_153] : memref<128xf32, #tpu.memory_space<vmem>> -> memref<128xf32, #tpu.memory_space<vmem>>
        tpu.enqueue_dma source(%dma_start3A_154 : memref<128xf32, #tpu.memory_space<vmem>>) target(%dma_start3A_152 : memref<128xf32, #tpu.memory_space<vmem_shared>>) target_semaphore(%run_scoped3A : memref<!tpu.dma_semaphore, #tpu.memory_space<semaphore_mem>>)
        %dma_wait3A_155 = arith.constant 0 : i32
        %dma_wait3A_156 = tpu.memref_slice %arg13[%dma_wait3A_155] : memref<128xf32, #tpu.memory_space<vmem>> -> memref<128xf32, #tpu.memory_space<vmem>>
        %dma_wait3A_157 = tpu.memref_slice %arg23[%add3A_129] : memref<10000xf32, #tpu.memory_space<vmem_shared>> -> memref<128xf32, #tpu.memory_space<vmem_shared>>
        %dma_wait3A_158 = tpu.memref_slice %arg23[%add3A_129] : memref<10000xf32, #tpu.memory_space<vmem_shared>> -> memref<128xf32, #tpu.memory_space<vmem_shared>>
        %dma_wait3A_159 = arith.constant 0 : i32
        %dma_wait3A_160 = tpu.memref_slice %arg13[%dma_wait3A_159] : memref<128xf32, #tpu.memory_space<vmem>> -> memref<128xf32, #tpu.memory_space<vmem>>
        tpu.wait_dma2 semaphore(%run_scoped3A : memref<!tpu.dma_semaphore, #tpu.memory_space<semaphore_mem>>) src(%dma_wait3A_160 : memref<128xf32, #tpu.memory_space<vmem>>) dst(%dma_wait3A_158 : memref<128xf32, #tpu.memory_space<vmem_shared>>)
        tpu.yield
      }) : () -> ()
      %mul3A_130 = arith.constant 1000 : i32
      %mul3A_131 = arith.muli %arg1, %mul3A_130 : i32
      %add3A_132 = arith.constant 384 : i32
      %add3A_133 = arith.addi %mul3A_131, %add3A_132 : i32
      "tpu.region"() ({
        %run_scoped3A = tpu.sem_alloc : memref<!tpu.dma_semaphore, #tpu.memory_space<semaphore_mem>>
        %dma_start3A = arith.constant 0 : i32
        %dma_start3A_150 = tpu.memref_slice %arg13[%dma_start3A] : memref<128xf32, #tpu.memory_space<vmem>> -> memref<128xf32, #tpu.memory_space<vmem>>
        %dma_start3A_151 = tpu.memref_slice %arg23[%add3A_133] : memref<10000xf32, #tpu.memory_space<vmem_shared>> -> memref<128xf32, #tpu.memory_space<vmem_shared>>
        %dma_start3A_152 = tpu.memref_slice %arg23[%add3A_133] : memref<10000xf32, #tpu.memory_space<vmem_shared>> -> memref<128xf32, #tpu.memory_space<vmem_shared>>
        %dma_start3A_153 = arith.constant 0 : i32
        %dma_start3A_154 = tpu.memref_slice %arg13[%dma_start3A_153] : memref<128xf32, #tpu.memory_space<vmem>> -> memref<128xf32, #tpu.memory_space<vmem>>
        tpu.enqueue_dma source(%dma_start3A_154 : memref<128xf32, #tpu.memory_space<vmem>>) target(%dma_start3A_152 : memref<128xf32, #tpu.memory_space<vmem_shared>>) target_semaphore(%run_scoped3A : memref<!tpu.dma_semaphore, #tpu.memory_space<semaphore_mem>>)
        %dma_wait3A_155 = arith.constant 0 : i32
        %dma_wait3A_156 = tpu.memref_slice %arg13[%dma_wait3A_155] : memref<128xf32, #tpu.memory_space<vmem>> -> memref<128xf32, #tpu.memory_space<vmem>>
        %dma_wait3A_157 = tpu.memref_slice %arg23[%add3A_133] : memref<10000xf32, #tpu.memory_space<vmem_shared>> -> memref<128xf32, #tpu.memory_space<vmem_shared>>
        %dma_wait3A_158 = tpu.memref_slice %arg23[%add3A_133] : memref<10000xf32, #tpu.memory_space<vmem_shared>> -> memref<128xf32, #tpu.memory_space<vmem_shared>>
        %dma_wait3A_159 = arith.constant 0 : i32
        %dma_wait3A_160 = tpu.memref_slice %arg13[%dma_wait3A_159] : memref<128xf32, #tpu.memory_space<vmem>> -> memref<128xf32, #tpu.memory_space<vmem>>
        tpu.wait_dma2 semaphore(%run_scoped3A : memref<!tpu.dma_semaphore, #tpu.memory_space<semaphore_mem>>) src(%dma_wait3A_160 : memref<128xf32, #tpu.memory_space<vmem>>) dst(%dma_wait3A_158 : memref<128xf32, #tpu.memory_space<vmem_shared>>)
        tpu.yield
      }) : () -> ()
      %mul3A_134 = arith.constant 1000 : i32
      %mul3A_135 = arith.muli %arg1, %mul3A_134 : i32
      %add3A_136 = arith.constant 512 : i32
      %add3A_137 = arith.addi %mul3A_135, %add3A_136 : i32
      "tpu.region"() ({
        %run_scoped3A = tpu.sem_alloc : memref<!tpu.dma_semaphore, #tpu.memory_space<semaphore_mem>>
        %dma_start3A = arith.constant 0 : i32
        %dma_start3A_150 = tpu.memref_slice %arg13[%dma_start3A] : memref<128xf32, #tpu.memory_space<vmem>> -> memref<128xf32, #tpu.memory_space<vmem>>
        %dma_start3A_151 = tpu.memref_slice %arg23[%add3A_137] : memref<10000xf32, #tpu.memory_space<vmem_shared>> -> memref<128xf32, #tpu.memory_space<vmem_shared>>
        %dma_start3A_152 = tpu.memref_slice %arg23[%add3A_137] : memref<10000xf32, #tpu.memory_space<vmem_shared>> -> memref<128xf32, #tpu.memory_space<vmem_shared>>
        %dma_start3A_153 = arith.constant 0 : i32
        %dma_start3A_154 = tpu.memref_slice %arg13[%dma_start3A_153] : memref<128xf32, #tpu.memory_space<vmem>> -> memref<128xf32, #tpu.memory_space<vmem>>
        tpu.enqueue_dma source(%dma_start3A_154 : memref<128xf32, #tpu.memory_space<vmem>>) target(%dma_start3A_152 : memref<128xf32, #tpu.memory_space<vmem_shared>>) target_semaphore(%run_scoped3A : memref<!tpu.dma_semaphore, #tpu.memory_space<semaphore_mem>>)
        %dma_wait3A_155 = arith.constant 0 : i32
        %dma_wait3A_156 = tpu.memref_slice %arg13[%dma_wait3A_155] : memref<128xf32, #tpu.memory_space<vmem>> -> memref<128xf32, #tpu.memory_space<vmem>>
        %dma_wait3A_157 = tpu.memref_slice %arg23[%add3A_137] : memref<10000xf32, #tpu.memory_space<vmem_shared>> -> memref<128xf32, #tpu.memory_space<vmem_shared>>
        %dma_wait3A_158 = tpu.memref_slice %arg23[%add3A_137] : memref<10000xf32, #tpu.memory_space<vmem_shared>> -> memref<128xf32, #tpu.memory_space<vmem_shared>>
        %dma_wait3A_159 = arith.constant 0 : i32
        %dma_wait3A_160 = tpu.memref_slice %arg13[%dma_wait3A_159] : memref<128xf32, #tpu.memory_space<vmem>> -> memref<128xf32, #tpu.memory_space<vmem>>
        tpu.wait_dma2 semaphore(%run_scoped3A : memref<!tpu.dma_semaphore, #tpu.memory_space<semaphore_mem>>) src(%dma_wait3A_160 : memref<128xf32, #tpu.memory_space<vmem>>) dst(%dma_wait3A_158 : memref<128xf32, #tpu.memory_space<vmem_shared>>)
        tpu.yield
      }) : () -> ()
      %mul3A_138 = arith.constant 1000 : i32
      %mul3A_139 = arith.muli %arg1, %mul3A_138 : i32
      %add3A_140 = arith.constant 640 : i32
      %add3A_141 = arith.addi %mul3A_139, %add3A_140 : i32
      "tpu.region"() ({
        %run_scoped3A = tpu.sem_alloc : memref<!tpu.dma_semaphore, #tpu.memory_space<semaphore_mem>>
        %dma_start3A = arith.constant 0 : i32
        %dma_start3A_150 = tpu.memref_slice %arg13[%dma_start3A] : memref<128xf32, #tpu.memory_space<vmem>> -> memref<128xf32, #tpu.memory_space<vmem>>
        %dma_start3A_151 = tpu.memref_slice %arg23[%add3A_141] : memref<10000xf32, #tpu.memory_space<vmem_shared>> -> memref<128xf32, #tpu.memory_space<vmem_shared>>
        %dma_start3A_152 = tpu.memref_slice %arg23[%add3A_141] : memref<10000xf32, #tpu.memory_space<vmem_shared>> -> memref<128xf32, #tpu.memory_space<vmem_shared>>
        %dma_start3A_153 = arith.constant 0 : i32
        %dma_start3A_154 = tpu.memref_slice %arg13[%dma_start3A_153] : memref<128xf32, #tpu.memory_space<vmem>> -> memref<128xf32, #tpu.memory_space<vmem>>
        tpu.enqueue_dma source(%dma_start3A_154 : memref<128xf32, #tpu.memory_space<vmem>>) target(%dma_start3A_152 : memref<128xf32, #tpu.memory_space<vmem_shared>>) target_semaphore(%run_scoped3A : memref<!tpu.dma_semaphore, #tpu.memory_space<semaphore_mem>>)
        %dma_wait3A_155 = arith.constant 0 : i32
        %dma_wait3A_156 = tpu.memref_slice %arg13[%dma_wait3A_155] : memref<128xf32, #tpu.memory_space<vmem>> -> memref<128xf32, #tpu.memory_space<vmem>>
        %dma_wait3A_157 = tpu.memref_slice %arg23[%add3A_141] : memref<10000xf32, #tpu.memory_space<vmem_shared>> -> memref<128xf32, #tpu.memory_space<vmem_shared>>
        %dma_wait3A_158 = tpu.memref_slice %arg23[%add3A_141] : memref<10000xf32, #tpu.memory_space<vmem_shared>> -> memref<128xf32, #tpu.memory_space<vmem_shared>>
        %dma_wait3A_159 = arith.constant 0 : i32
        %dma_wait3A_160 = tpu.memref_slice %arg13[%dma_wait3A_159] : memref<128xf32, #tpu.memory_space<vmem>> -> memref<128xf32, #tpu.memory_space<vmem>>
        tpu.wait_dma2 semaphore(%run_scoped3A : memref<!tpu.dma_semaphore, #tpu.memory_space<semaphore_mem>>) src(%dma_wait3A_160 : memref<128xf32, #tpu.memory_space<vmem>>) dst(%dma_wait3A_158 : memref<128xf32, #tpu.memory_space<vmem_shared>>)
        tpu.yield
      }) : () -> ()
      %mul3A_142 = arith.constant 1000 : i32
      %mul3A_143 = arith.muli %arg1, %mul3A_142 : i32
      %add3A_144 = arith.constant 768 : i32
      %add3A_145 = arith.addi %mul3A_143, %add3A_144 : i32
      "tpu.region"() ({
        %run_scoped3A = tpu.sem_alloc : memref<!tpu.dma_semaphore, #tpu.memory_space<semaphore_mem>>
        %dma_start3A = arith.constant 0 : i32
        %dma_start3A_150 = tpu.memref_slice %arg13[%dma_start3A] : memref<128xf32, #tpu.memory_space<vmem>> -> memref<128xf32, #tpu.memory_space<vmem>>
        %dma_start3A_151 = tpu.memref_slice %arg23[%add3A_145] : memref<10000xf32, #tpu.memory_space<vmem_shared>> -> memref<128xf32, #tpu.memory_space<vmem_shared>>
        %dma_start3A_152 = tpu.memref_slice %arg23[%add3A_145] : memref<10000xf32, #tpu.memory_space<vmem_shared>> -> memref<128xf32, #tpu.memory_space<vmem_shared>>
        %dma_start3A_153 = arith.constant 0 : i32
        %dma_start3A_154 = tpu.memref_slice %arg13[%dma_start3A_153] : memref<128xf32, #tpu.memory_space<vmem>> -> memref<128xf32, #tpu.memory_space<vmem>>
        tpu.enqueue_dma source(%dma_start3A_154 : memref<128xf32, #tpu.memory_space<vmem>>) target(%dma_start3A_152 : memref<128xf32, #tpu.memory_space<vmem_shared>>) target_semaphore(%run_scoped3A : memref<!tpu.dma_semaphore, #tpu.memory_space<semaphore_mem>>)
        %dma_wait3A_155 = arith.constant 0 : i32
        %dma_wait3A_156 = tpu.memref_slice %arg13[%dma_wait3A_155] : memref<128xf32, #tpu.memory_space<vmem>> -> memref<128xf32, #tpu.memory_space<vmem>>
        %dma_wait3A_157 = tpu.memref_slice %arg23[%add3A_145] : memref<10000xf32, #tpu.memory_space<vmem_shared>> -> memref<128xf32, #tpu.memory_space<vmem_shared>>
        %dma_wait3A_158 = tpu.memref_slice %arg23[%add3A_145] : memref<10000xf32, #tpu.memory_space<vmem_shared>> -> memref<128xf32, #tpu.memory_space<vmem_shared>>
        %dma_wait3A_159 = arith.constant 0 : i32
        %dma_wait3A_160 = tpu.memref_slice %arg13[%dma_wait3A_159] : memref<128xf32, #tpu.memory_space<vmem>> -> memref<128xf32, #tpu.memory_space<vmem>>
        tpu.wait_dma2 semaphore(%run_scoped3A : memref<!tpu.dma_semaphore, #tpu.memory_space<semaphore_mem>>) src(%dma_wait3A_160 : memref<128xf32, #tpu.memory_space<vmem>>) dst(%dma_wait3A_158 : memref<128xf32, #tpu.memory_space<vmem_shared>>)
        tpu.yield
      }) : () -> ()
      %mul3A_146 = arith.constant 1000 : i32
      %mul3A_147 = arith.muli %arg1, %mul3A_146 : i32
      %add3A_148 = arith.constant 896 : i32
      %add3A_149 = arith.addi %mul3A_147, %add3A_148 : i32
      "tpu.region"() ({
        %run_scoped3A = tpu.sem_alloc : memref<!tpu.dma_semaphore, #tpu.memory_space<semaphore_mem>>
        %dma_start3A = arith.constant 0 : i32
        %dma_start3A_150 = tpu.memref_slice %arg13[%dma_start3A] : memref<128xf32, #tpu.memory_space<vmem>> -> memref<104xf32, #tpu.memory_space<vmem>>
        %dma_start3A_151 = tpu.memref_slice %arg23[%add3A_149] : memref<10000xf32, #tpu.memory_space<vmem_shared>> -> memref<104xf32, #tpu.memory_space<vmem_shared>>
        %dma_start3A_152 = tpu.memref_slice %arg23[%add3A_149] : memref<10000xf32, #tpu.memory_space<vmem_shared>> -> memref<104xf32, #tpu.memory_space<vmem_shared>>
        %dma_start3A_153 = arith.constant 0 : i32
        %dma_start3A_154 = tpu.memref_slice %arg13[%dma_start3A_153] : memref<128xf32, #tpu.memory_space<vmem>> -> memref<104xf32, #tpu.memory_space<vmem>>
        tpu.enqueue_dma source(%dma_start3A_154 : memref<104xf32, #tpu.memory_space<vmem>>) target(%dma_start3A_152 : memref<104xf32, #tpu.memory_space<vmem_shared>>) target_semaphore(%run_scoped3A : memref<!tpu.dma_semaphore, #tpu.memory_space<semaphore_mem>>)
        %dma_wait3A_155 = arith.constant 0 : i32
        %dma_wait3A_156 = tpu.memref_slice %arg13[%dma_wait3A_155] : memref<128xf32, #tpu.memory_space<vmem>> -> memref<104xf32, #tpu.memory_space<vmem>>
        %dma_wait3A_157 = tpu.memref_slice %arg23[%add3A_149] : memref<10000xf32, #tpu.memory_space<vmem_shared>> -> memref<104xf32, #tpu.memory_space<vmem_shared>>
        %dma_wait3A_158 = tpu.memref_slice %arg23[%add3A_149] : memref<10000xf32, #tpu.memory_space<vmem_shared>> -> memref<104xf32, #tpu.memory_space<vmem_shared>>
        %dma_wait3A_159 = arith.constant 0 : i32
        %dma_wait3A_160 = tpu.memref_slice %arg13[%dma_wait3A_159] : memref<128xf32, #tpu.memory_space<vmem>> -> memref<104xf32, #tpu.memory_space<vmem>>
        tpu.wait_dma2 semaphore(%run_scoped3A : memref<!tpu.dma_semaphore, #tpu.memory_space<semaphore_mem>>) src(%dma_wait3A_160 : memref<104xf32, #tpu.memory_space<vmem>>) dst(%dma_wait3A_158 : memref<104xf32, #tpu.memory_space<vmem_shared>>)
        tpu.yield
      }) : () -> ()
    } else {
    }
    %barrier3A = arith.constant 0 : index
    tpu.barrier barrier_id(%barrier3A)
    %lt3A_58 = arith.constant 4 : i32
    %lt3A_59 = arith.cmpi slt, %add3A, %lt3A_58 : i32
    %jit3A = arith.constant 1 : i32
    %jit3A_60 = arith.constant 0 : i32
    %select_n3A = arith.select %lt3A_59, %jit3A, %jit3A_60 : i32
    %add3A_61 = arith.constant 78 : i32
    %add3A_62 = arith.addi %add3A_61, %select_n3A : i32
    %mul3A_63 = arith.constant 78 : i32
    %mul3A_64 = arith.muli %add3A, %mul3A_63 : i32
    %add3A_65 = arith.constant 0 : i32
    %add3A_66 = arith.addi %add3A_65, %mul3A_64 : i32
    %min3A = arith.constant 4 : i32
    %min3A_67 = arith.minsi %add3A, %min3A : i32
    %add3A_68 = arith.addi %add3A_66, %min3A_67 : i32
    %gt3A = arith.constant 0 : i32
    %gt3A_69 = arith.cmpi sgt, %add3A_62, %gt3A : i32
    %convert_element_type3A_70 = arith.extui %gt3A_69 : i1 to i32
    %cond3A_71 = arith.constant 0 : i32
    %cond3A_72 = arith.cmpi ne, %convert_element_type3A_70, %cond3A_71 : i32
    scf.if %cond3A_72 {
      %add3A_118 = arith.constant 0 : i32
      %add3A_119 = arith.addi %add3A_68, %add3A_118 : i32
      %sub3A = arith.constant 0 : i32
      %sub3A_120 = arith.subi %add3A_119, %sub3A : i32
      %mul3A_121 = arith.constant 128 : i32
      %mul3A_122 = arith.muli %sub3A_120, %mul3A_121 : i32
      %dma_start3A = arith.constant 0 : i32
      %dma_start3A_123 = tpu.memref_slice %arg2[%mul3A_122, %dma_start3A] : memref<320000x128xf32, #tpu.memory_space<hbm>> -> memref<128x128xf32, #tpu.memory_space<hbm>>
      %dma_start3A_124 = arith.constant 0 : i32
      %dma_start3A_125 = tpu.memref_slice %arg2[%mul3A_122, %dma_start3A_124] : memref<320000x128xf32, #tpu.memory_space<hbm>> -> memref<128x128xf32, #tpu.memory_space<hbm>>
      tpu.enqueue_dma source(%dma_start3A_125 : memref<128x128xf32, #tpu.memory_space<hbm>>) target(%arg8 : memref<128x128xf32, #tpu.memory_space<vmem>>) target_semaphore(%arg14 : memref<!tpu.dma_semaphore, #tpu.memory_space<semaphore_mem>>)
      %mul3A_126 = arith.constant 128 : i32
      %mul3A_127 = arith.muli %add3A_119, %mul3A_126 : i32
      %dma_start3A_128 = arith.constant 0 : i32
      %dma_start3A_129 = arith.constant 0 : i32
      %dma_start3A_130 = tpu.memref_slice %arg11[%dma_start3A_128, %dma_start3A_129] : memref<3x128xi32, #tpu.memory_space<vmem>> -> memref<1x128xi32, #tpu.memory_space<vmem>>
      %dma_start3A_131 = tpu.memref_squeeze %dma_start3A_130 : memref<1x128xi32, #tpu.memory_space<vmem>> -> memref<128xi32, #tpu.memory_space<vmem>>
      %dma_start3A_132 = tpu.memref_slice %arg3[%mul3A_127] : memref<320000xi32, #tpu.memory_space<hbm>> -> memref<128xi32, #tpu.memory_space<hbm>>
      %dma_start3A_133 = arith.constant 0 : i32
      %dma_start3A_134 = tpu.memref_slice %arg11[%dma_start3A_128, %dma_start3A_133] : memref<3x128xi32, #tpu.memory_space<vmem>> -> memref<1x128xi32, #tpu.memory_space<vmem>>
      %dma_start3A_135 = tpu.memref_squeeze %dma_start3A_134 : memref<1x128xi32, #tpu.memory_space<vmem>> -> memref<128xi32, #tpu.memory_space<vmem>>
      %dma_start3A_136 = tpu.memref_slice %arg3[%mul3A_127] : memref<320000xi32, #tpu.memory_space<hbm>> -> memref<128xi32, #tpu.memory_space<hbm>>
      tpu.enqueue_dma source(%dma_start3A_136 : memref<128xi32, #tpu.memory_space<hbm>>) target(%dma_start3A_135 : memref<128xi32, #tpu.memory_space<vmem>>) target_semaphore(%arg17 : memref<!tpu.dma_semaphore, #tpu.memory_space<semaphore_mem>>)
    } else {
    }
    %gt3A_73 = arith.constant 1 : i32
    %gt3A_74 = arith.cmpi sgt, %add3A_62, %gt3A_73 : i32
    %convert_element_type3A_75 = arith.extui %gt3A_74 : i1 to i32
    %cond3A_76 = arith.constant 0 : i32
    %cond3A_77 = arith.cmpi ne, %convert_element_type3A_75, %cond3A_76 : i32
    scf.if %cond3A_77 {
      %add3A_118 = arith.constant 1 : i32
      %add3A_119 = arith.addi %add3A_68, %add3A_118 : i32
      %sub3A = arith.constant 0 : i32
      %sub3A_120 = arith.subi %add3A_119, %sub3A : i32
      %mul3A_121 = arith.constant 128 : i32
      %mul3A_122 = arith.muli %sub3A_120, %mul3A_121 : i32
      %dma_start3A = arith.constant 0 : i32
      %dma_start3A_123 = tpu.memref_slice %arg2[%mul3A_122, %dma_start3A] : memref<320000x128xf32, #tpu.memory_space<hbm>> -> memref<128x128xf32, #tpu.memory_space<hbm>>
      %dma_start3A_124 = arith.constant 0 : i32
      %dma_start3A_125 = tpu.memref_slice %arg2[%mul3A_122, %dma_start3A_124] : memref<320000x128xf32, #tpu.memory_space<hbm>> -> memref<128x128xf32, #tpu.memory_space<hbm>>
      tpu.enqueue_dma source(%dma_start3A_125 : memref<128x128xf32, #tpu.memory_space<hbm>>) target(%arg9 : memref<128x128xf32, #tpu.memory_space<vmem>>) target_semaphore(%arg15 : memref<!tpu.dma_semaphore, #tpu.memory_space<semaphore_mem>>)
      %mul3A_126 = arith.constant 128 : i32
      %mul3A_127 = arith.muli %add3A_119, %mul3A_126 : i32
      %dma_start3A_128 = arith.constant 1 : i32
      %dma_start3A_129 = arith.constant 0 : i32
      %dma_start3A_130 = tpu.memref_slice %arg11[%dma_start3A_128, %dma_start3A_129] : memref<3x128xi32, #tpu.memory_space<vmem>> -> memref<1x128xi32, #tpu.memory_space<vmem>>
      %dma_start3A_131 = tpu.memref_squeeze %dma_start3A_130 : memref<1x128xi32, #tpu.memory_space<vmem>> -> memref<128xi32, #tpu.memory_space<vmem>>
      %dma_start3A_132 = tpu.memref_slice %arg3[%mul3A_127] : memref<320000xi32, #tpu.memory_space<hbm>> -> memref<128xi32, #tpu.memory_space<hbm>>
      %dma_start3A_133 = arith.constant 0 : i32
      %dma_start3A_134 = tpu.memref_slice %arg11[%dma_start3A_128, %dma_start3A_133] : memref<3x128xi32, #tpu.memory_space<vmem>> -> memref<1x128xi32, #tpu.memory_space<vmem>>
      %dma_start3A_135 = tpu.memref_squeeze %dma_start3A_134 : memref<1x128xi32, #tpu.memory_space<vmem>> -> memref<128xi32, #tpu.memory_space<vmem>>
      %dma_start3A_136 = tpu.memref_slice %arg3[%mul3A_127] : memref<320000xi32, #tpu.memory_space<hbm>> -> memref<128xi32, #tpu.memory_space<hbm>>
      tpu.enqueue_dma source(%dma_start3A_136 : memref<128xi32, #tpu.memory_space<hbm>>) target(%dma_start3A_135 : memref<128xi32, #tpu.memory_space<vmem>>) target_semaphore(%arg18 : memref<!tpu.dma_semaphore, #tpu.memory_space<semaphore_mem>>)
    } else {
    }
    %gt3A_78 = arith.constant 2 : i32
    %gt3A_79 = arith.cmpi sgt, %add3A_62, %gt3A_78 : i32
    %convert_element_type3A_80 = arith.extui %gt3A_79 : i1 to i32
    %cond3A_81 = arith.constant 0 : i32
    %cond3A_82 = arith.cmpi ne, %convert_element_type3A_80, %cond3A_81 : i32
    scf.if %cond3A_82 {
      %add3A_118 = arith.constant 2 : i32
      %add3A_119 = arith.addi %add3A_68, %add3A_118 : i32
      %sub3A = arith.constant 0 : i32
      %sub3A_120 = arith.subi %add3A_119, %sub3A : i32
      %mul3A_121 = arith.constant 128 : i32
      %mul3A_122 = arith.muli %sub3A_120, %mul3A_121 : i32
      %dma_start3A = arith.constant 0 : i32
      %dma_start3A_123 = tpu.memref_slice %arg2[%mul3A_122, %dma_start3A] : memref<320000x128xf32, #tpu.memory_space<hbm>> -> memref<128x128xf32, #tpu.memory_space<hbm>>
      %dma_start3A_124 = arith.constant 0 : i32
      %dma_start3A_125 = tpu.memref_slice %arg2[%mul3A_122, %dma_start3A_124] : memref<320000x128xf32, #tpu.memory_space<hbm>> -> memref<128x128xf32, #tpu.memory_space<hbm>>
      tpu.enqueue_dma source(%dma_start3A_125 : memref<128x128xf32, #tpu.memory_space<hbm>>) target(%arg10 : memref<128x128xf32, #tpu.memory_space<vmem>>) target_semaphore(%arg16 : memref<!tpu.dma_semaphore, #tpu.memory_space<semaphore_mem>>)
      %mul3A_126 = arith.constant 128 : i32
      %mul3A_127 = arith.muli %add3A_119, %mul3A_126 : i32
      %dma_start3A_128 = arith.constant 2 : i32
      %dma_start3A_129 = arith.constant 0 : i32
      %dma_start3A_130 = tpu.memref_slice %arg11[%dma_start3A_128, %dma_start3A_129] : memref<3x128xi32, #tpu.memory_space<vmem>> -> memref<1x128xi32, #tpu.memory_space<vmem>>
      %dma_start3A_131 = tpu.memref_squeeze %dma_start3A_130 : memref<1x128xi32, #tpu.memory_space<vmem>> -> memref<128xi32, #tpu.memory_space<vmem>>
      %dma_start3A_132 = tpu.memref_slice %arg3[%mul3A_127] : memref<320000xi32, #tpu.memory_space<hbm>> -> memref<128xi32, #tpu.memory_space<hbm>>
      %dma_start3A_133 = arith.constant 0 : i32
      %dma_start3A_134 = tpu.memref_slice %arg11[%dma_start3A_128, %dma_start3A_133] : memref<3x128xi32, #tpu.memory_space<vmem>> -> memref<1x128xi32, #tpu.memory_space<vmem>>
      %dma_start3A_135 = tpu.memref_squeeze %dma_start3A_134 : memref<1x128xi32, #tpu.memory_space<vmem>> -> memref<128xi32, #tpu.memory_space<vmem>>
      %dma_start3A_136 = tpu.memref_slice %arg3[%mul3A_127] : memref<320000xi32, #tpu.memory_space<hbm>> -> memref<128xi32, #tpu.memory_space<hbm>>
      tpu.enqueue_dma source(%dma_start3A_136 : memref<128xi32, #tpu.memory_space<hbm>>) target(%dma_start3A_135 : memref<128xi32, #tpu.memory_space<vmem>>) target_semaphore(%arg19 : memref<!tpu.dma_semaphore, #tpu.memory_space<semaphore_mem>>)
    } else {
    }
    %scan3A = arith.constant 0 : i32
    %scan3A_83 = arith.constant 0 : i32
    %scan3A_84 = arith.constant 27 : i32
    %scan3A_85 = arith.addi %scan3A_83, %scan3A_84 : i32
    %scan3A_86 = arith.constant 1 : i32
    scf.for %scan3A_118 = %scan3A_83 to %scan3A_85 step %scan3A_86  : i32 {
      %mul3A_119 = arith.constant 3 : i32
      %mul3A_120 = arith.muli %scan3A_118, %mul3A_119 : i32
      %add3A_121 = arith.constant 0 : i32
      %add3A_122 = arith.addi %mul3A_120, %add3A_121 : i32
      %lt3A_123 = arith.cmpi slt, %add3A_122, %add3A_62 : i32
      %convert_element_type3A_124 = arith.extui %lt3A_123 : i1 to i32
      %cond3A_125 = arith.constant 0 : i32
      %cond3A_126 = arith.cmpi ne, %convert_element_type3A_124, %cond3A_125 : i32
      scf.if %cond3A_126 {
        %ge3A = arith.constant 2 : i32
        %ge3A_143 = arith.cmpi sge, %add3A_122, %ge3A : i32
        %convert_element_type3A_144 = arith.extui %ge3A_143 : i1 to i32
        %cond3A_145 = arith.constant 0 : i32
        %cond3A_146 = arith.cmpi ne, %convert_element_type3A_144, %cond3A_145 : i32
        scf.if %cond3A_146 {
          %dma_wait3A_176 = arith.constant 0 : i32
          %dma_wait3A_177 = arith.constant 0 : i32
          %dma_wait3A_178 = tpu.memref_slice %arg22[%dma_wait3A_176, %dma_wait3A_177] : memref<10000x128xf32, #tpu.memory_space<vmem_shared>> -> memref<128x128xf32, #tpu.memory_space<vmem_shared>>
          %dma_wait3A_179 = arith.constant 0 : i32
          %dma_wait3A_180 = arith.constant 0 : i32
          %dma_wait3A_181 = tpu.memref_slice %arg22[%dma_wait3A_179, %dma_wait3A_180] : memref<10000x128xf32, #tpu.memory_space<vmem_shared>> -> memref<128x128xf32, #tpu.memory_space<vmem_shared>>
          tpu.wait_dma2 semaphore(%arg20 : memref<!tpu.dma_semaphore, #tpu.memory_space<semaphore_mem>>) src(%arg8 : memref<128x128xf32, #tpu.memory_space<vmem>>) dst(%dma_wait3A_181 : memref<128x128xf32, #tpu.memory_space<vmem_shared>>)
          %dma_wait3A_182 = arith.constant 0 : i32
          %dma_wait3A_183 = tpu.memref_slice %arg23[%dma_wait3A_182] : memref<10000xf32, #tpu.memory_space<vmem_shared>> -> memref<128xf32, #tpu.memory_space<vmem_shared>>
          %dma_wait3A_184 = arith.constant 0 : i32
          %dma_wait3A_185 = tpu.memref_slice %arg23[%dma_wait3A_184] : memref<10000xf32, #tpu.memory_space<vmem_shared>> -> memref<128xf32, #tpu.memory_space<vmem_shared>>
          tpu.wait_dma2 semaphore(%arg21 : memref<!tpu.dma_semaphore, #tpu.memory_space<semaphore_mem>>) src(%arg12 : memref<128xf32, #tpu.memory_space<vmem>>) dst(%dma_wait3A_185 : memref<128xf32, #tpu.memory_space<vmem_shared>>)
          %sub3A = arith.constant 2 : i32
          %sub3A_186 = arith.subi %add3A_122, %sub3A : i32
          %add3A_187 = arith.constant 3 : i32
          %add3A_188 = arith.addi %sub3A_186, %add3A_187 : i32
          %lt3A_189 = arith.cmpi slt, %add3A_188, %add3A_62 : i32
          %convert_element_type3A_190 = arith.extui %lt3A_189 : i1 to i32
          %cond3A_191 = arith.constant 0 : i32
          %cond3A_192 = arith.cmpi ne, %convert_element_type3A_190, %cond3A_191 : i32
          scf.if %cond3A_192 {
            %sub3A_193 = arith.constant 2 : i32
            %sub3A_194 = arith.subi %add3A_122, %sub3A_193 : i32
            %add3A_195 = arith.constant 3 : i32
            %add3A_196 = arith.addi %sub3A_194, %add3A_195 : i32
            %add3A_197 = arith.addi %add3A_68, %add3A_196 : i32
            %sub3A_198 = arith.constant 0 : i32
            %sub3A_199 = arith.subi %add3A_197, %sub3A_198 : i32
            %mul3A_200 = arith.constant 128 : i32
            %mul3A_201 = arith.muli %sub3A_199, %mul3A_200 : i32
            %dma_start3A_202 = arith.constant 0 : i32
            %dma_start3A_203 = tpu.memref_slice %arg2[%mul3A_201, %dma_start3A_202] : memref<320000x128xf32, #tpu.memory_space<hbm>> -> memref<128x128xf32, #tpu.memory_space<hbm>>
            %dma_start3A_204 = arith.constant 0 : i32
            %dma_start3A_205 = tpu.memref_slice %arg2[%mul3A_201, %dma_start3A_204] : memref<320000x128xf32, #tpu.memory_space<hbm>> -> memref<128x128xf32, #tpu.memory_space<hbm>>
            tpu.enqueue_dma source(%dma_start3A_205 : memref<128x128xf32, #tpu.memory_space<hbm>>) target(%arg9 : memref<128x128xf32, #tpu.memory_space<vmem>>) target_semaphore(%arg15 : memref<!tpu.dma_semaphore, #tpu.memory_space<semaphore_mem>>)
            %mul3A_206 = arith.constant 128 : i32
            %mul3A_207 = arith.muli %add3A_197, %mul3A_206 : i32
            %dma_start3A_208 = arith.constant 1 : i32
            %dma_start3A_209 = arith.constant 0 : i32
            %dma_start3A_210 = tpu.memref_slice %arg11[%dma_start3A_208, %dma_start3A_209] : memref<3x128xi32, #tpu.memory_space<vmem>> -> memref<1x128xi32, #tpu.memory_space<vmem>>
            %dma_start3A_211 = tpu.memref_squeeze %dma_start3A_210 : memref<1x128xi32, #tpu.memory_space<vmem>> -> memref<128xi32, #tpu.memory_space<vmem>>
            %dma_start3A_212 = tpu.memref_slice %arg3[%mul3A_207] : memref<320000xi32, #tpu.memory_space<hbm>> -> memref<128xi32, #tpu.memory_space<hbm>>
            %dma_start3A_213 = arith.constant 0 : i32
            %dma_start3A_214 = tpu.memref_slice %arg11[%dma_start3A_208, %dma_start3A_213] : memref<3x128xi32, #tpu.memory_space<vmem>> -> memref<1x128xi32, #tpu.memory_space<vmem>>
            %dma_start3A_215 = tpu.memref_squeeze %dma_start3A_214 : memref<1x128xi32, #tpu.memory_space<vmem>> -> memref<128xi32, #tpu.memory_space<vmem>>
            %dma_start3A_216 = tpu.memref_slice %arg3[%mul3A_207] : memref<320000xi32, #tpu.memory_space<hbm>> -> memref<128xi32, #tpu.memory_space<hbm>>
            tpu.enqueue_dma source(%dma_start3A_216 : memref<128xi32, #tpu.memory_space<hbm>>) target(%dma_start3A_215 : memref<128xi32, #tpu.memory_space<vmem>>) target_semaphore(%arg18 : memref<!tpu.dma_semaphore, #tpu.memory_space<semaphore_mem>>)
          } else {
          }
        } else {
        }
        %dma_wait3A_147 = arith.constant 0 : i32
        %dma_wait3A_148 = arith.constant 0 : i32
        %dma_wait3A_149 = tpu.memref_slice %arg2[%dma_wait3A_147, %dma_wait3A_148] : memref<320000x128xf32, #tpu.memory_space<hbm>> -> memref<128x128xf32, #tpu.memory_space<hbm>>
        %dma_wait3A_150 = arith.constant 0 : i32
        %dma_wait3A_151 = arith.constant 0 : i32
        %dma_wait3A_152 = tpu.memref_slice %arg2[%dma_wait3A_150, %dma_wait3A_151] : memref<320000x128xf32, #tpu.memory_space<hbm>> -> memref<128x128xf32, #tpu.memory_space<hbm>>
        tpu.wait_dma2 semaphore(%arg14 : memref<!tpu.dma_semaphore, #tpu.memory_space<semaphore_mem>>) src(%dma_wait3A_152 : memref<128x128xf32, #tpu.memory_space<hbm>>) dst(%arg8 : memref<128x128xf32, #tpu.memory_space<vmem>>)
        %dma_wait3A_153 = arith.constant 0 : i32
        %dma_wait3A_154 = arith.constant 0 : i32
        %dma_wait3A_155 = tpu.memref_slice %arg11[%dma_wait3A_153, %dma_wait3A_154] : memref<3x128xi32, #tpu.memory_space<vmem>> -> memref<1x128xi32, #tpu.memory_space<vmem>>
        %dma_wait3A_156 = tpu.memref_squeeze %dma_wait3A_155 : memref<1x128xi32, #tpu.memory_space<vmem>> -> memref<128xi32, #tpu.memory_space<vmem>>
        %dma_wait3A_157 = arith.constant 0 : i32
        %dma_wait3A_158 = tpu.memref_slice %arg3[%dma_wait3A_157] : memref<320000xi32, #tpu.memory_space<hbm>> -> memref<128xi32, #tpu.memory_space<hbm>>
        %dma_wait3A_159 = arith.constant 0 : i32
        %dma_wait3A_160 = tpu.memref_slice %arg11[%dma_wait3A_153, %dma_wait3A_159] : memref<3x128xi32, #tpu.memory_space<vmem>> -> memref<1x128xi32, #tpu.memory_space<vmem>>
        %dma_wait3A_161 = tpu.memref_squeeze %dma_wait3A_160 : memref<1x128xi32, #tpu.memory_space<vmem>> -> memref<128xi32, #tpu.memory_space<vmem>>
        %dma_wait3A_162 = arith.constant 0 : i32
        %dma_wait3A_163 = tpu.memref_slice %arg3[%dma_wait3A_162] : memref<320000xi32, #tpu.memory_space<hbm>> -> memref<128xi32, #tpu.memory_space<hbm>>
        tpu.wait_dma2 semaphore(%arg17 : memref<!tpu.dma_semaphore, #tpu.memory_space<semaphore_mem>>) src(%dma_wait3A_163 : memref<128xi32, #tpu.memory_space<hbm>>) dst(%dma_wait3A_161 : memref<128xi32, #tpu.memory_space<vmem>>)
        %dma_start3A = arith.constant 0 : i32
        %dma_start3A_164 = arith.constant 0 : i32
        %dma_start3A_165 = tpu.memref_slice %arg11[%dma_start3A, %dma_start3A_164] : memref<3x128xi32, #tpu.memory_space<vmem>> -> memref<1x128xi32, #tpu.memory_space<vmem>>
        %dma_start3A_166 = tpu.memref_squeeze %dma_start3A_165 : memref<1x128xi32, #tpu.memory_space<vmem>> -> memref<128xi32, #tpu.memory_space<vmem>>
        %dma_start3A_167 = arith.constant 0 : i32
        %dma_start3A_168 = arith.constant 0 : i32
        %dma_start3A_169 = tpu.memref_slice %arg22[%dma_start3A_167, %dma_start3A_168] : memref<10000x128xf32, #tpu.memory_space<vmem_shared>> -> memref<10000x128xf32, #tpu.memory_space<vmem_shared>>
        tpu.enqueue_indirect_dma source(%arg8 : memref<128x128xf32, #tpu.memory_space<vmem>>) target(%dma_start3A_169 : memref<10000x128xf32, #tpu.memory_space<vmem_shared>>) offsets(%dma_start3A_166 : memref<128xi32, #tpu.memory_space<vmem>>) semaphore(%arg20 : memref<!tpu.dma_semaphore, #tpu.memory_space<semaphore_mem>>) {add = true}
        %dma_start3A_170 = arith.constant 0 : i32
        %dma_start3A_171 = arith.constant 0 : i32
        %dma_start3A_172 = tpu.memref_slice %arg11[%dma_start3A_170, %dma_start3A_171] : memref<3x128xi32, #tpu.memory_space<vmem>> -> memref<1x128xi32, #tpu.memory_space<vmem>>
        %dma_start3A_173 = tpu.memref_squeeze %dma_start3A_172 : memref<1x128xi32, #tpu.memory_space<vmem>> -> memref<128xi32, #tpu.memory_space<vmem>>
        %dma_start3A_174 = arith.constant 0 : i32
        %dma_start3A_175 = tpu.memref_slice %arg23[%dma_start3A_174] : memref<10000xf32, #tpu.memory_space<vmem_shared>> -> memref<10000xf32, #tpu.memory_space<vmem_shared>>
        tpu.enqueue_indirect_dma source(%arg12 : memref<128xf32, #tpu.memory_space<vmem>>) target(%dma_start3A_175 : memref<10000xf32, #tpu.memory_space<vmem_shared>>) offsets(%dma_start3A_173 : memref<128xi32, #tpu.memory_space<vmem>>) semaphore(%arg21 : memref<!tpu.dma_semaphore, #tpu.memory_space<semaphore_mem>>) {add = true}
      } else {
      }
      %mul3A_127 = arith.constant 3 : i32
      %mul3A_128 = arith.muli %scan3A_118, %mul3A_127 : i32
      %add3A_129 = arith.constant 1 : i32
      %add3A_130 = arith.addi %mul3A_128, %add3A_129 : i32
      %lt3A_131 = arith.cmpi slt, %add3A_130, %add3A_62 : i32
      %convert_element_type3A_132 = arith.extui %lt3A_131 : i1 to i32
      %cond3A_133 = arith.constant 0 : i32
      %cond3A_134 = arith.cmpi ne, %convert_element_type3A_132, %cond3A_133 : i32
      scf.if %cond3A_134 {
        %ge3A = arith.constant 2 : i32
        %ge3A_143 = arith.cmpi sge, %add3A_130, %ge3A : i32
        %convert_element_type3A_144 = arith.extui %ge3A_143 : i1 to i32
        %cond3A_145 = arith.constant 0 : i32
        %cond3A_146 = arith.cmpi ne, %convert_element_type3A_144, %cond3A_145 : i32
        scf.if %cond3A_146 {
          %dma_wait3A_176 = arith.constant 0 : i32
          %dma_wait3A_177 = arith.constant 0 : i32
          %dma_wait3A_178 = tpu.memref_slice %arg22[%dma_wait3A_176, %dma_wait3A_177] : memref<10000x128xf32, #tpu.memory_space<vmem_shared>> -> memref<128x128xf32, #tpu.memory_space<vmem_shared>>
          %dma_wait3A_179 = arith.constant 0 : i32
          %dma_wait3A_180 = arith.constant 0 : i32
          %dma_wait3A_181 = tpu.memref_slice %arg22[%dma_wait3A_179, %dma_wait3A_180] : memref<10000x128xf32, #tpu.memory_space<vmem_shared>> -> memref<128x128xf32, #tpu.memory_space<vmem_shared>>
          tpu.wait_dma2 semaphore(%arg20 : memref<!tpu.dma_semaphore, #tpu.memory_space<semaphore_mem>>) src(%arg8 : memref<128x128xf32, #tpu.memory_space<vmem>>) dst(%dma_wait3A_181 : memref<128x128xf32, #tpu.memory_space<vmem_shared>>)
          %dma_wait3A_182 = arith.constant 0 : i32
          %dma_wait3A_183 = tpu.memref_slice %arg23[%dma_wait3A_182] : memref<10000xf32, #tpu.memory_space<vmem_shared>> -> memref<128xf32, #tpu.memory_space<vmem_shared>>
          %dma_wait3A_184 = arith.constant 0 : i32
          %dma_wait3A_185 = tpu.memref_slice %arg23[%dma_wait3A_184] : memref<10000xf32, #tpu.memory_space<vmem_shared>> -> memref<128xf32, #tpu.memory_space<vmem_shared>>
          tpu.wait_dma2 semaphore(%arg21 : memref<!tpu.dma_semaphore, #tpu.memory_space<semaphore_mem>>) src(%arg12 : memref<128xf32, #tpu.memory_space<vmem>>) dst(%dma_wait3A_185 : memref<128xf32, #tpu.memory_space<vmem_shared>>)
          %sub3A = arith.constant 2 : i32
          %sub3A_186 = arith.subi %add3A_130, %sub3A : i32
          %add3A_187 = arith.constant 3 : i32
          %add3A_188 = arith.addi %sub3A_186, %add3A_187 : i32
          %lt3A_189 = arith.cmpi slt, %add3A_188, %add3A_62 : i32
          %convert_element_type3A_190 = arith.extui %lt3A_189 : i1 to i32
          %cond3A_191 = arith.constant 0 : i32
          %cond3A_192 = arith.cmpi ne, %convert_element_type3A_190, %cond3A_191 : i32
          scf.if %cond3A_192 {
            %sub3A_193 = arith.constant 2 : i32
            %sub3A_194 = arith.subi %add3A_130, %sub3A_193 : i32
            %add3A_195 = arith.constant 3 : i32
            %add3A_196 = arith.addi %sub3A_194, %add3A_195 : i32
            %add3A_197 = arith.addi %add3A_68, %add3A_196 : i32
            %sub3A_198 = arith.constant 0 : i32
            %sub3A_199 = arith.subi %add3A_197, %sub3A_198 : i32
            %mul3A_200 = arith.constant 128 : i32
            %mul3A_201 = arith.muli %sub3A_199, %mul3A_200 : i32
            %dma_start3A_202 = arith.constant 0 : i32
            %dma_start3A_203 = tpu.memref_slice %arg2[%mul3A_201, %dma_start3A_202] : memref<320000x128xf32, #tpu.memory_space<hbm>> -> memref<128x128xf32, #tpu.memory_space<hbm>>
            %dma_start3A_204 = arith.constant 0 : i32
            %dma_start3A_205 = tpu.memref_slice %arg2[%mul3A_201, %dma_start3A_204] : memref<320000x128xf32, #tpu.memory_space<hbm>> -> memref<128x128xf32, #tpu.memory_space<hbm>>
            tpu.enqueue_dma source(%dma_start3A_205 : memref<128x128xf32, #tpu.memory_space<hbm>>) target(%arg10 : memref<128x128xf32, #tpu.memory_space<vmem>>) target_semaphore(%arg16 : memref<!tpu.dma_semaphore, #tpu.memory_space<semaphore_mem>>)
            %mul3A_206 = arith.constant 128 : i32
            %mul3A_207 = arith.muli %add3A_197, %mul3A_206 : i32
            %dma_start3A_208 = arith.constant 2 : i32
            %dma_start3A_209 = arith.constant 0 : i32
            %dma_start3A_210 = tpu.memref_slice %arg11[%dma_start3A_208, %dma_start3A_209] : memref<3x128xi32, #tpu.memory_space<vmem>> -> memref<1x128xi32, #tpu.memory_space<vmem>>
            %dma_start3A_211 = tpu.memref_squeeze %dma_start3A_210 : memref<1x128xi32, #tpu.memory_space<vmem>> -> memref<128xi32, #tpu.memory_space<vmem>>
            %dma_start3A_212 = tpu.memref_slice %arg3[%mul3A_207] : memref<320000xi32, #tpu.memory_space<hbm>> -> memref<128xi32, #tpu.memory_space<hbm>>
            %dma_start3A_213 = arith.constant 0 : i32
            %dma_start3A_214 = tpu.memref_slice %arg11[%dma_start3A_208, %dma_start3A_213] : memref<3x128xi32, #tpu.memory_space<vmem>> -> memref<1x128xi32, #tpu.memory_space<vmem>>
            %dma_start3A_215 = tpu.memref_squeeze %dma_start3A_214 : memref<1x128xi32, #tpu.memory_space<vmem>> -> memref<128xi32, #tpu.memory_space<vmem>>
            %dma_start3A_216 = tpu.memref_slice %arg3[%mul3A_207] : memref<320000xi32, #tpu.memory_space<hbm>> -> memref<128xi32, #tpu.memory_space<hbm>>
            tpu.enqueue_dma source(%dma_start3A_216 : memref<128xi32, #tpu.memory_space<hbm>>) target(%dma_start3A_215 : memref<128xi32, #tpu.memory_space<vmem>>) target_semaphore(%arg19 : memref<!tpu.dma_semaphore, #tpu.memory_space<semaphore_mem>>)
          } else {
          }
        } else {
        }
        %dma_wait3A_147 = arith.constant 0 : i32
        %dma_wait3A_148 = arith.constant 0 : i32
        %dma_wait3A_149 = tpu.memref_slice %arg2[%dma_wait3A_147, %dma_wait3A_148] : memref<320000x128xf32, #tpu.memory_space<hbm>> -> memref<128x128xf32, #tpu.memory_space<hbm>>
        %dma_wait3A_150 = arith.constant 0 : i32
        %dma_wait3A_151 = arith.constant 0 : i32
        %dma_wait3A_152 = tpu.memref_slice %arg2[%dma_wait3A_150, %dma_wait3A_151] : memref<320000x128xf32, #tpu.memory_space<hbm>> -> memref<128x128xf32, #tpu.memory_space<hbm>>
        tpu.wait_dma2 semaphore(%arg15 : memref<!tpu.dma_semaphore, #tpu.memory_space<semaphore_mem>>) src(%dma_wait3A_152 : memref<128x128xf32, #tpu.memory_space<hbm>>) dst(%arg9 : memref<128x128xf32, #tpu.memory_space<vmem>>)
        %dma_wait3A_153 = arith.constant 1 : i32
        %dma_wait3A_154 = arith.constant 0 : i32
        %dma_wait3A_155 = tpu.memref_slice %arg11[%dma_wait3A_153, %dma_wait3A_154] : memref<3x128xi32, #tpu.memory_space<vmem>> -> memref<1x128xi32, #tpu.memory_space<vmem>>
        %dma_wait3A_156 = tpu.memref_squeeze %dma_wait3A_155 : memref<1x128xi32, #tpu.memory_space<vmem>> -> memref<128xi32, #tpu.memory_space<vmem>>
        %dma_wait3A_157 = arith.constant 0 : i32
        %dma_wait3A_158 = tpu.memref_slice %arg3[%dma_wait3A_157] : memref<320000xi32, #tpu.memory_space<hbm>> -> memref<128xi32, #tpu.memory_space<hbm>>
        %dma_wait3A_159 = arith.constant 0 : i32
        %dma_wait3A_160 = tpu.memref_slice %arg11[%dma_wait3A_153, %dma_wait3A_159] : memref<3x128xi32, #tpu.memory_space<vmem>> -> memref<1x128xi32, #tpu.memory_space<vmem>>
        %dma_wait3A_161 = tpu.memref_squeeze %dma_wait3A_160 : memref<1x128xi32, #tpu.memory_space<vmem>> -> memref<128xi32, #tpu.memory_space<vmem>>
        %dma_wait3A_162 = arith.constant 0 : i32
        %dma_wait3A_163 = tpu.memref_slice %arg3[%dma_wait3A_162] : memref<320000xi32, #tpu.memory_space<hbm>> -> memref<128xi32, #tpu.memory_space<hbm>>
        tpu.wait_dma2 semaphore(%arg18 : memref<!tpu.dma_semaphore, #tpu.memory_space<semaphore_mem>>) src(%dma_wait3A_163 : memref<128xi32, #tpu.memory_space<hbm>>) dst(%dma_wait3A_161 : memref<128xi32, #tpu.memory_space<vmem>>)
        %dma_start3A = arith.constant 1 : i32
        %dma_start3A_164 = arith.constant 0 : i32
        %dma_start3A_165 = tpu.memref_slice %arg11[%dma_start3A, %dma_start3A_164] : memref<3x128xi32, #tpu.memory_space<vmem>> -> memref<1x128xi32, #tpu.memory_space<vmem>>
        %dma_start3A_166 = tpu.memref_squeeze %dma_start3A_165 : memref<1x128xi32, #tpu.memory_space<vmem>> -> memref<128xi32, #tpu.memory_space<vmem>>
        %dma_start3A_167 = arith.constant 0 : i32
        %dma_start3A_168 = arith.constant 0 : i32
        %dma_start3A_169 = tpu.memref_slice %arg22[%dma_start3A_167, %dma_start3A_168] : memref<10000x128xf32, #tpu.memory_space<vmem_shared>> -> memref<10000x128xf32, #tpu.memory_space<vmem_shared>>
        tpu.enqueue_indirect_dma source(%arg9 : memref<128x128xf32, #tpu.memory_space<vmem>>) target(%dma_start3A_169 : memref<10000x128xf32, #tpu.memory_space<vmem_shared>>) offsets(%dma_start3A_166 : memref<128xi32, #tpu.memory_space<vmem>>) semaphore(%arg20 : memref<!tpu.dma_semaphore, #tpu.memory_space<semaphore_mem>>) {add = true}
        %dma_start3A_170 = arith.constant 1 : i32
        %dma_start3A_171 = arith.constant 0 : i32
        %dma_start3A_172 = tpu.memref_slice %arg11[%dma_start3A_170, %dma_start3A_171] : memref<3x128xi32, #tpu.memory_space<vmem>> -> memref<1x128xi32, #tpu.memory_space<vmem>>
        %dma_start3A_173 = tpu.memref_squeeze %dma_start3A_172 : memref<1x128xi32, #tpu.memory_space<vmem>> -> memref<128xi32, #tpu.memory_space<vmem>>
        %dma_start3A_174 = arith.constant 0 : i32
        %dma_start3A_175 = tpu.memref_slice %arg23[%dma_start3A_174] : memref<10000xf32, #tpu.memory_space<vmem_shared>> -> memref<10000xf32, #tpu.memory_space<vmem_shared>>
        tpu.enqueue_indirect_dma source(%arg12 : memref<128xf32, #tpu.memory_space<vmem>>) target(%dma_start3A_175 : memref<10000xf32, #tpu.memory_space<vmem_shared>>) offsets(%dma_start3A_173 : memref<128xi32, #tpu.memory_space<vmem>>) semaphore(%arg21 : memref<!tpu.dma_semaphore, #tpu.memory_space<semaphore_mem>>) {add = true}
      } else {
      }
      %mul3A_135 = arith.constant 3 : i32
      %mul3A_136 = arith.muli %scan3A_118, %mul3A_135 : i32
      %add3A_137 = arith.constant 2 : i32
      %add3A_138 = arith.addi %mul3A_136, %add3A_137 : i32
      %lt3A_139 = arith.cmpi slt, %add3A_138, %add3A_62 : i32
      %convert_element_type3A_140 = arith.extui %lt3A_139 : i1 to i32
      %cond3A_141 = arith.constant 0 : i32
      %cond3A_142 = arith.cmpi ne, %convert_element_type3A_140, %cond3A_141 : i32
      scf.if %cond3A_142 {
        %ge3A = arith.constant 2 : i32
        %ge3A_143 = arith.cmpi sge, %add3A_138, %ge3A : i32
        %convert_element_type3A_144 = arith.extui %ge3A_143 : i1 to i32
        %cond3A_145 = arith.constant 0 : i32
        %cond3A_146 = arith.cmpi ne, %convert_element_type3A_144, %cond3A_145 : i32
        scf.if %cond3A_146 {
          %dma_wait3A_176 = arith.constant 0 : i32
          %dma_wait3A_177 = arith.constant 0 : i32
          %dma_wait3A_178 = tpu.memref_slice %arg22[%dma_wait3A_176, %dma_wait3A_177] : memref<10000x128xf32, #tpu.memory_space<vmem_shared>> -> memref<128x128xf32, #tpu.memory_space<vmem_shared>>
          %dma_wait3A_179 = arith.constant 0 : i32
          %dma_wait3A_180 = arith.constant 0 : i32
          %dma_wait3A_181 = tpu.memref_slice %arg22[%dma_wait3A_179, %dma_wait3A_180] : memref<10000x128xf32, #tpu.memory_space<vmem_shared>> -> memref<128x128xf32, #tpu.memory_space<vmem_shared>>
          tpu.wait_dma2 semaphore(%arg20 : memref<!tpu.dma_semaphore, #tpu.memory_space<semaphore_mem>>) src(%arg8 : memref<128x128xf32, #tpu.memory_space<vmem>>) dst(%dma_wait3A_181 : memref<128x128xf32, #tpu.memory_space<vmem_shared>>)
          %dma_wait3A_182 = arith.constant 0 : i32
          %dma_wait3A_183 = tpu.memref_slice %arg23[%dma_wait3A_182] : memref<10000xf32, #tpu.memory_space<vmem_shared>> -> memref<128xf32, #tpu.memory_space<vmem_shared>>
          %dma_wait3A_184 = arith.constant 0 : i32
          %dma_wait3A_185 = tpu.memref_slice %arg23[%dma_wait3A_184] : memref<10000xf32, #tpu.memory_space<vmem_shared>> -> memref<128xf32, #tpu.memory_space<vmem_shared>>
          tpu.wait_dma2 semaphore(%arg21 : memref<!tpu.dma_semaphore, #tpu.memory_space<semaphore_mem>>) src(%arg12 : memref<128xf32, #tpu.memory_space<vmem>>) dst(%dma_wait3A_185 : memref<128xf32, #tpu.memory_space<vmem_shared>>)
          %sub3A = arith.constant 2 : i32
          %sub3A_186 = arith.subi %add3A_138, %sub3A : i32
          %add3A_187 = arith.constant 3 : i32
          %add3A_188 = arith.addi %sub3A_186, %add3A_187 : i32
          %lt3A_189 = arith.cmpi slt, %add3A_188, %add3A_62 : i32
          %convert_element_type3A_190 = arith.extui %lt3A_189 : i1 to i32
          %cond3A_191 = arith.constant 0 : i32
          %cond3A_192 = arith.cmpi ne, %convert_element_type3A_190, %cond3A_191 : i32
          scf.if %cond3A_192 {
            %sub3A_193 = arith.constant 2 : i32
            %sub3A_194 = arith.subi %add3A_138, %sub3A_193 : i32
            %add3A_195 = arith.constant 3 : i32
            %add3A_196 = arith.addi %sub3A_194, %add3A_195 : i32
            %add3A_197 = arith.addi %add3A_68, %add3A_196 : i32
            %sub3A_198 = arith.constant 0 : i32
            %sub3A_199 = arith.subi %add3A_197, %sub3A_198 : i32
            %mul3A_200 = arith.constant 128 : i32
            %mul3A_201 = arith.muli %sub3A_199, %mul3A_200 : i32
            %dma_start3A_202 = arith.constant 0 : i32
            %dma_start3A_203 = tpu.memref_slice %arg2[%mul3A_201, %dma_start3A_202] : memref<320000x128xf32, #tpu.memory_space<hbm>> -> memref<128x128xf32, #tpu.memory_space<hbm>>
            %dma_start3A_204 = arith.constant 0 : i32
            %dma_start3A_205 = tpu.memref_slice %arg2[%mul3A_201, %dma_start3A_204] : memref<320000x128xf32, #tpu.memory_space<hbm>> -> memref<128x128xf32, #tpu.memory_space<hbm>>
            tpu.enqueue_dma source(%dma_start3A_205 : memref<128x128xf32, #tpu.memory_space<hbm>>) target(%arg8 : memref<128x128xf32, #tpu.memory_space<vmem>>) target_semaphore(%arg14 : memref<!tpu.dma_semaphore, #tpu.memory_space<semaphore_mem>>)
            %mul3A_206 = arith.constant 128 : i32
            %mul3A_207 = arith.muli %add3A_197, %mul3A_206 : i32
            %dma_start3A_208 = arith.constant 0 : i32
            %dma_start3A_209 = arith.constant 0 : i32
            %dma_start3A_210 = tpu.memref_slice %arg11[%dma_start3A_208, %dma_start3A_209] : memref<3x128xi32, #tpu.memory_space<vmem>> -> memref<1x128xi32, #tpu.memory_space<vmem>>
            %dma_start3A_211 = tpu.memref_squeeze %dma_start3A_210 : memref<1x128xi32, #tpu.memory_space<vmem>> -> memref<128xi32, #tpu.memory_space<vmem>>
            %dma_start3A_212 = tpu.memref_slice %arg3[%mul3A_207] : memref<320000xi32, #tpu.memory_space<hbm>> -> memref<128xi32, #tpu.memory_space<hbm>>
            %dma_start3A_213 = arith.constant 0 : i32
            %dma_start3A_214 = tpu.memref_slice %arg11[%dma_start3A_208, %dma_start3A_213] : memref<3x128xi32, #tpu.memory_space<vmem>> -> memref<1x128xi32, #tpu.memory_space<vmem>>
            %dma_start3A_215 = tpu.memref_squeeze %dma_start3A_214 : memref<1x128xi32, #tpu.memory_space<vmem>> -> memref<128xi32, #tpu.memory_space<vmem>>
            %dma_start3A_216 = tpu.memref_slice %arg3[%mul3A_207] : memref<320000xi32, #tpu.memory_space<hbm>> -> memref<128xi32, #tpu.memory_space<hbm>>
            tpu.enqueue_dma source(%dma_start3A_216 : memref<128xi32, #tpu.memory_space<hbm>>) target(%dma_start3A_215 : memref<128xi32, #tpu.memory_space<vmem>>) target_semaphore(%arg17 : memref<!tpu.dma_semaphore, #tpu.memory_space<semaphore_mem>>)
          } else {
          }
        } else {
        }
        %dma_wait3A_147 = arith.constant 0 : i32
        %dma_wait3A_148 = arith.constant 0 : i32
        %dma_wait3A_149 = tpu.memref_slice %arg2[%dma_wait3A_147, %dma_wait3A_148] : memref<320000x128xf32, #tpu.memory_space<hbm>> -> memref<128x128xf32, #tpu.memory_space<hbm>>
        %dma_wait3A_150 = arith.constant 0 : i32
        %dma_wait3A_151 = arith.constant 0 : i32
        %dma_wait3A_152 = tpu.memref_slice %arg2[%dma_wait3A_150, %dma_wait3A_151] : memref<320000x128xf32, #tpu.memory_space<hbm>> -> memref<128x128xf32, #tpu.memory_space<hbm>>
        tpu.wait_dma2 semaphore(%arg16 : memref<!tpu.dma_semaphore, #tpu.memory_space<semaphore_mem>>) src(%dma_wait3A_152 : memref<128x128xf32, #tpu.memory_space<hbm>>) dst(%arg10 : memref<128x128xf32, #tpu.memory_space<vmem>>)
        %dma_wait3A_153 = arith.constant 2 : i32
        %dma_wait3A_154 = arith.constant 0 : i32
        %dma_wait3A_155 = tpu.memref_slice %arg11[%dma_wait3A_153, %dma_wait3A_154] : memref<3x128xi32, #tpu.memory_space<vmem>> -> memref<1x128xi32, #tpu.memory_space<vmem>>
        %dma_wait3A_156 = tpu.memref_squeeze %dma_wait3A_155 : memref<1x128xi32, #tpu.memory_space<vmem>> -> memref<128xi32, #tpu.memory_space<vmem>>
        %dma_wait3A_157 = arith.constant 0 : i32
        %dma_wait3A_158 = tpu.memref_slice %arg3[%dma_wait3A_157] : memref<320000xi32, #tpu.memory_space<hbm>> -> memref<128xi32, #tpu.memory_space<hbm>>
        %dma_wait3A_159 = arith.constant 0 : i32
        %dma_wait3A_160 = tpu.memref_slice %arg11[%dma_wait3A_153, %dma_wait3A_159] : memref<3x128xi32, #tpu.memory_space<vmem>> -> memref<1x128xi32, #tpu.memory_space<vmem>>
        %dma_wait3A_161 = tpu.memref_squeeze %dma_wait3A_160 : memref<1x128xi32, #tpu.memory_space<vmem>> -> memref<128xi32, #tpu.memory_space<vmem>>
        %dma_wait3A_162 = arith.constant 0 : i32
        %dma_wait3A_163 = tpu.memref_slice %arg3[%dma_wait3A_162] : memref<320000xi32, #tpu.memory_space<hbm>> -> memref<128xi32, #tpu.memory_space<hbm>>
        tpu.wait_dma2 semaphore(%arg19 : memref<!tpu.dma_semaphore, #tpu.memory_space<semaphore_mem>>) src(%dma_wait3A_163 : memref<128xi32, #tpu.memory_space<hbm>>) dst(%dma_wait3A_161 : memref<128xi32, #tpu.memory_space<vmem>>)
        %dma_start3A = arith.constant 2 : i32
        %dma_start3A_164 = arith.constant 0 : i32
        %dma_start3A_165 = tpu.memref_slice %arg11[%dma_start3A, %dma_start3A_164] : memref<3x128xi32, #tpu.memory_space<vmem>> -> memref<1x128xi32, #tpu.memory_space<vmem>>
        %dma_start3A_166 = tpu.memref_squeeze %dma_start3A_165 : memref<1x128xi32, #tpu.memory_space<vmem>> -> memref<128xi32, #tpu.memory_space<vmem>>
        %dma_start3A_167 = arith.constant 0 : i32
        %dma_start3A_168 = arith.constant 0 : i32
        %dma_start3A_169 = tpu.memref_slice %arg22[%dma_start3A_167, %dma_start3A_168] : memref<10000x128xf32, #tpu.memory_space<vmem_shared>> -> memref<10000x128xf32, #tpu.memory_space<vmem_shared>>
        tpu.enqueue_indirect_dma source(%arg10 : memref<128x128xf32, #tpu.memory_space<vmem>>) target(%dma_start3A_169 : memref<10000x128xf32, #tpu.memory_space<vmem_shared>>) offsets(%dma_start3A_166 : memref<128xi32, #tpu.memory_space<vmem>>) semaphore(%arg20 : memref<!tpu.dma_semaphore, #tpu.memory_space<semaphore_mem>>) {add = true}
        %dma_start3A_170 = arith.constant 2 : i32
        %dma_start3A_171 = arith.constant 0 : i32
        %dma_start3A_172 = tpu.memref_slice %arg11[%dma_start3A_170, %dma_start3A_171] : memref<3x128xi32, #tpu.memory_space<vmem>> -> memref<1x128xi32, #tpu.memory_space<vmem>>
        %dma_start3A_173 = tpu.memref_squeeze %dma_start3A_172 : memref<1x128xi32, #tpu.memory_space<vmem>> -> memref<128xi32, #tpu.memory_space<vmem>>
        %dma_start3A_174 = arith.constant 0 : i32
        %dma_start3A_175 = tpu.memref_slice %arg23[%dma_start3A_174] : memref<10000xf32, #tpu.memory_space<vmem_shared>> -> memref<10000xf32, #tpu.memory_space<vmem_shared>>
        tpu.enqueue_indirect_dma source(%arg12 : memref<128xf32, #tpu.memory_space<vmem>>) target(%dma_start3A_175 : memref<10000xf32, #tpu.memory_space<vmem_shared>>) offsets(%dma_start3A_173 : memref<128xi32, #tpu.memory_space<vmem>>) semaphore(%arg21 : memref<!tpu.dma_semaphore, #tpu.memory_space<semaphore_mem>>) {add = true}
      } else {
      }
    }
    %scan3A_87 = arith.constant 27 : i32
    %dma_wait3A = arith.constant 0 : i32
    %dma_wait3A_88 = arith.constant 0 : i32
    %dma_wait3A_89 = tpu.memref_slice %arg22[%dma_wait3A, %dma_wait3A_88] : memref<10000x128xf32, #tpu.memory_space<vmem_shared>> -> memref<128x128xf32, #tpu.memory_space<vmem_shared>>
    %dma_wait3A_90 = arith.constant 0 : i32
    %dma_wait3A_91 = arith.constant 0 : i32
    %dma_wait3A_92 = tpu.memref_slice %arg22[%dma_wait3A_90, %dma_wait3A_91] : memref<10000x128xf32, #tpu.memory_space<vmem_shared>> -> memref<128x128xf32, #tpu.memory_space<vmem_shared>>
    tpu.wait_dma2 semaphore(%arg20 : memref<!tpu.dma_semaphore, #tpu.memory_space<semaphore_mem>>) src(%arg8 : memref<128x128xf32, #tpu.memory_space<vmem>>) dst(%dma_wait3A_92 : memref<128x128xf32, #tpu.memory_space<vmem_shared>>)
    %dma_wait3A_93 = arith.constant 0 : i32
    %dma_wait3A_94 = tpu.memref_slice %arg23[%dma_wait3A_93] : memref<10000xf32, #tpu.memory_space<vmem_shared>> -> memref<128xf32, #tpu.memory_space<vmem_shared>>
    %dma_wait3A_95 = arith.constant 0 : i32
    %dma_wait3A_96 = tpu.memref_slice %arg23[%dma_wait3A_95] : memref<10000xf32, #tpu.memory_space<vmem_shared>> -> memref<128xf32, #tpu.memory_space<vmem_shared>>
    tpu.wait_dma2 semaphore(%arg21 : memref<!tpu.dma_semaphore, #tpu.memory_space<semaphore_mem>>) src(%arg12 : memref<128xf32, #tpu.memory_space<vmem>>) dst(%dma_wait3A_96 : memref<128xf32, #tpu.memory_space<vmem_shared>>)
    %dma_wait3A_97 = arith.constant 0 : i32
    %dma_wait3A_98 = arith.constant 0 : i32
    %dma_wait3A_99 = tpu.memref_slice %arg22[%dma_wait3A_97, %dma_wait3A_98] : memref<10000x128xf32, #tpu.memory_space<vmem_shared>> -> memref<128x128xf32, #tpu.memory_space<vmem_shared>>
    %dma_wait3A_100 = arith.constant 0 : i32
    %dma_wait3A_101 = arith.constant 0 : i32
    %dma_wait3A_102 = tpu.memref_slice %arg22[%dma_wait3A_100, %dma_wait3A_101] : memref<10000x128xf32, #tpu.memory_space<vmem_shared>> -> memref<128x128xf32, #tpu.memory_space<vmem_shared>>
    tpu.wait_dma2 semaphore(%arg20 : memref<!tpu.dma_semaphore, #tpu.memory_space<semaphore_mem>>) src(%arg8 : memref<128x128xf32, #tpu.memory_space<vmem>>) dst(%dma_wait3A_102 : memref<128x128xf32, #tpu.memory_space<vmem_shared>>)
    %dma_wait3A_103 = arith.constant 0 : i32
    %dma_wait3A_104 = tpu.memref_slice %arg23[%dma_wait3A_103] : memref<10000xf32, #tpu.memory_space<vmem_shared>> -> memref<128xf32, #tpu.memory_space<vmem_shared>>
    %dma_wait3A_105 = arith.constant 0 : i32
    %dma_wait3A_106 = tpu.memref_slice %arg23[%dma_wait3A_105] : memref<10000xf32, #tpu.memory_space<vmem_shared>> -> memref<128xf32, #tpu.memory_space<vmem_shared>>
    tpu.wait_dma2 semaphore(%arg21 : memref<!tpu.dma_semaphore, #tpu.memory_space<semaphore_mem>>) src(%arg12 : memref<128xf32, #tpu.memory_space<vmem>>) dst(%dma_wait3A_106 : memref<128xf32, #tpu.memory_space<vmem_shared>>)
    %barrier3A_107 = arith.constant 0 : index
    tpu.barrier barrier_id(%barrier3A_107)
    %lt3A_108 = arith.constant 5 : i32
    %lt3A_109 = arith.cmpi slt, %arg1, %lt3A_108 : i32
    %convert_element_type3A_110 = arith.extui %lt3A_109 : i1 to i32
    %cond3A_111 = arith.constant 0 : i32
    %cond3A_112 = arith.cmpi ne, %convert_element_type3A_110, %cond3A_111 : i32
    scf.if %cond3A_112 {
      %mul3A_118 = arith.constant 2000 : i32
      %mul3A_119 = arith.muli %arg1, %mul3A_118 : i32
      "tpu.region"() ({
        %run_scoped3A = tpu.sem_alloc : memref<!tpu.dma_semaphore, #tpu.memory_space<semaphore_mem>>
        %dma_start3A = arith.constant 0 : i32
        %dma_start3A_120 = tpu.memref_slice %arg6[%arg0, %mul3A_119, %dma_start3A] : memref<2x10000x128xf32, #tpu.memory_space<hbm>> -> memref<1x2000x128xf32, #tpu.memory_space<hbm>>
        %dma_start3A_121 = tpu.memref_squeeze %dma_start3A_120 : memref<1x2000x128xf32, #tpu.memory_space<hbm>> -> memref<2000x128xf32, #tpu.memory_space<hbm>>
        %dma_start3A_122 = arith.constant 0 : i32
        %dma_start3A_123 = tpu.memref_slice %arg22[%mul3A_119, %dma_start3A_122] : memref<10000x128xf32, #tpu.memory_space<vmem_shared>> -> memref<2000x128xf32, #tpu.memory_space<vmem_shared>>
        tpu.enqueue_dma source(%dma_start3A_123 : memref<2000x128xf32, #tpu.memory_space<vmem_shared>>) target(%dma_start3A_121 : memref<2000x128xf32, #tpu.memory_space<hbm>>) target_semaphore(%run_scoped3A : memref<!tpu.dma_semaphore, #tpu.memory_space<semaphore_mem>>)
        %dma_wait3A_124 = arith.constant 0 : i32
        %dma_wait3A_125 = tpu.memref_slice %arg6[%arg0, %mul3A_119, %dma_wait3A_124] : memref<2x10000x128xf32, #tpu.memory_space<hbm>> -> memref<1x2000x128xf32, #tpu.memory_space<hbm>>
        %dma_wait3A_126 = tpu.memref_squeeze %dma_wait3A_125 : memref<1x2000x128xf32, #tpu.memory_space<hbm>> -> memref<2000x128xf32, #tpu.memory_space<hbm>>
        %dma_wait3A_127 = arith.constant 0 : i32
        %dma_wait3A_128 = tpu.memref_slice %arg22[%mul3A_119, %dma_wait3A_127] : memref<10000x128xf32, #tpu.memory_space<vmem_shared>> -> memref<2000x128xf32, #tpu.memory_space<vmem_shared>>
        tpu.wait_dma2 semaphore(%run_scoped3A : memref<!tpu.dma_semaphore, #tpu.memory_space<semaphore_mem>>) src(%dma_wait3A_128 : memref<2000x128xf32, #tpu.memory_space<vmem_shared>>) dst(%dma_wait3A_126 : memref<2000x128xf32, #tpu.memory_space<hbm>>)
        tpu.yield
      }) : () -> ()
    } else {
    }
    %lt3A_113 = arith.constant 10 : i32
    %lt3A_114 = arith.cmpi slt, %arg1, %lt3A_113 : i32
    %convert_element_type3A_115 = arith.extui %lt3A_114 : i1 to i32
    %cond3A_116 = arith.constant 0 : i32
    %cond3A_117 = arith.cmpi ne, %convert_element_type3A_115, %cond3A_116 : i32
    scf.if %cond3A_117 {
      %mul3A_118 = arith.constant 1000 : i32
      %mul3A_119 = arith.muli %arg1, %mul3A_118 : i32
      %add3A_120 = arith.constant 0 : i32
      %add3A_121 = arith.addi %mul3A_119, %add3A_120 : i32
      "tpu.region"() ({
        %run_scoped3A = tpu.sem_alloc : memref<!tpu.dma_semaphore, #tpu.memory_space<semaphore_mem>>
        %dma_start3A = arith.constant 0 : i32
        %dma_start3A_174 = tpu.memref_slice %arg13[%dma_start3A] : memref<128xf32, #tpu.memory_space<vmem>> -> memref<128xf32, #tpu.memory_space<vmem>>
        %dma_start3A_175 = tpu.memref_slice %arg23[%add3A_121] : memref<10000xf32, #tpu.memory_space<vmem_shared>> -> memref<128xf32, #tpu.memory_space<vmem_shared>>
        %dma_start3A_176 = arith.constant 0 : i32
        %dma_start3A_177 = tpu.memref_slice %arg13[%dma_start3A_176] : memref<128xf32, #tpu.memory_space<vmem>> -> memref<128xf32, #tpu.memory_space<vmem>>
        %dma_start3A_178 = tpu.memref_slice %arg23[%add3A_121] : memref<10000xf32, #tpu.memory_space<vmem_shared>> -> memref<128xf32, #tpu.memory_space<vmem_shared>>
        tpu.enqueue_dma source(%dma_start3A_178 : memref<128xf32, #tpu.memory_space<vmem_shared>>) target(%dma_start3A_177 : memref<128xf32, #tpu.memory_space<vmem>>) target_semaphore(%run_scoped3A : memref<!tpu.dma_semaphore, #tpu.memory_space<semaphore_mem>>)
        %dma_wait3A_179 = arith.constant 0 : i32
        %dma_wait3A_180 = tpu.memref_slice %arg13[%dma_wait3A_179] : memref<128xf32, #tpu.memory_space<vmem>> -> memref<128xf32, #tpu.memory_space<vmem>>
        %dma_wait3A_181 = tpu.memref_slice %arg23[%add3A_121] : memref<10000xf32, #tpu.memory_space<vmem_shared>> -> memref<128xf32, #tpu.memory_space<vmem_shared>>
        %dma_wait3A_182 = arith.constant 0 : i32
        %dma_wait3A_183 = tpu.memref_slice %arg13[%dma_wait3A_182] : memref<128xf32, #tpu.memory_space<vmem>> -> memref<128xf32, #tpu.memory_space<vmem>>
        %dma_wait3A_184 = tpu.memref_slice %arg23[%add3A_121] : memref<10000xf32, #tpu.memory_space<vmem_shared>> -> memref<128xf32, #tpu.memory_space<vmem_shared>>
        tpu.wait_dma2 semaphore(%run_scoped3A : memref<!tpu.dma_semaphore, #tpu.memory_space<semaphore_mem>>) src(%dma_wait3A_184 : memref<128xf32, #tpu.memory_space<vmem_shared>>) dst(%dma_wait3A_183 : memref<128xf32, #tpu.memory_space<vmem>>)
        tpu.yield
      }) : () -> ()
      %mul3A_122 = arith.constant 10000 : i32
      %mul3A_123 = arith.muli %arg0, %mul3A_122 : i32
      %add3A_124 = arith.addi %mul3A_123, %add3A_121 : i32
      "tpu.region"() ({
        %run_scoped3A = tpu.sem_alloc : memref<!tpu.dma_semaphore, #tpu.memory_space<semaphore_mem>>
        %dma_start3A = arith.constant 0 : i32
        %dma_start3A_174 = tpu.memref_slice %arg13[%dma_start3A] : memref<128xf32, #tpu.memory_space<vmem>> -> memref<128xf32, #tpu.memory_space<vmem>>
        %dma_start3A_175 = tpu.memref_slice %arg7[%add3A_124] : memref<20000xf32, #tpu.memory_space<hbm>> -> memref<128xf32, #tpu.memory_space<hbm>>
        %dma_start3A_176 = tpu.memref_slice %arg7[%add3A_124] : memref<20000xf32, #tpu.memory_space<hbm>> -> memref<128xf32, #tpu.memory_space<hbm>>
        %dma_start3A_177 = arith.constant 0 : i32
        %dma_start3A_178 = tpu.memref_slice %arg13[%dma_start3A_177] : memref<128xf32, #tpu.memory_space<vmem>> -> memref<128xf32, #tpu.memory_space<vmem>>
        tpu.enqueue_dma source(%dma_start3A_178 : memref<128xf32, #tpu.memory_space<vmem>>) target(%dma_start3A_176 : memref<128xf32, #tpu.memory_space<hbm>>) target_semaphore(%run_scoped3A : memref<!tpu.dma_semaphore, #tpu.memory_space<semaphore_mem>>)
        %dma_wait3A_179 = arith.constant 0 : i32
        %dma_wait3A_180 = tpu.memref_slice %arg13[%dma_wait3A_179] : memref<128xf32, #tpu.memory_space<vmem>> -> memref<128xf32, #tpu.memory_space<vmem>>
        %dma_wait3A_181 = tpu.memref_slice %arg7[%add3A_124] : memref<20000xf32, #tpu.memory_space<hbm>> -> memref<128xf32, #tpu.memory_space<hbm>>
        %dma_wait3A_182 = tpu.memref_slice %arg7[%add3A_124] : memref<20000xf32, #tpu.memory_space<hbm>> -> memref<128xf32, #tpu.memory_space<hbm>>
        %dma_wait3A_183 = arith.constant 0 : i32
        %dma_wait3A_184 = tpu.memref_slice %arg13[%dma_wait3A_183] : memref<128xf32, #tpu.memory_space<vmem>> -> memref<128xf32, #tpu.memory_space<vmem>>
        tpu.wait_dma2 semaphore(%run_scoped3A : memref<!tpu.dma_semaphore, #tpu.memory_space<semaphore_mem>>) src(%dma_wait3A_184 : memref<128xf32, #tpu.memory_space<vmem>>) dst(%dma_wait3A_182 : memref<128xf32, #tpu.memory_space<hbm>>)
        tpu.yield
      }) : () -> ()
      %mul3A_125 = arith.constant 1000 : i32
      %mul3A_126 = arith.muli %arg1, %mul3A_125 : i32
      %add3A_127 = arith.constant 128 : i32
      %add3A_128 = arith.addi %mul3A_126, %add3A_127 : i32
      "tpu.region"() ({
        %run_scoped3A = tpu.sem_alloc : memref<!tpu.dma_semaphore, #tpu.memory_space<semaphore_mem>>
        %dma_start3A = arith.constant 0 : i32
        %dma_start3A_174 = tpu.memref_slice %arg13[%dma_start3A] : memref<128xf32, #tpu.memory_space<vmem>> -> memref<128xf32, #tpu.memory_space<vmem>>
        %dma_start3A_175 = tpu.memref_slice %arg23[%add3A_128] : memref<10000xf32, #tpu.memory_space<vmem_shared>> -> memref<128xf32, #tpu.memory_space<vmem_shared>>
        %dma_start3A_176 = arith.constant 0 : i32
        %dma_start3A_177 = tpu.memref_slice %arg13[%dma_start3A_176] : memref<128xf32, #tpu.memory_space<vmem>> -> memref<128xf32, #tpu.memory_space<vmem>>
        %dma_start3A_178 = tpu.memref_slice %arg23[%add3A_128] : memref<10000xf32, #tpu.memory_space<vmem_shared>> -> memref<128xf32, #tpu.memory_space<vmem_shared>>
        tpu.enqueue_dma source(%dma_start3A_178 : memref<128xf32, #tpu.memory_space<vmem_shared>>) target(%dma_start3A_177 : memref<128xf32, #tpu.memory_space<vmem>>) target_semaphore(%run_scoped3A : memref<!tpu.dma_semaphore, #tpu.memory_space<semaphore_mem>>)
        %dma_wait3A_179 = arith.constant 0 : i32
        %dma_wait3A_180 = tpu.memref_slice %arg13[%dma_wait3A_179] : memref<128xf32, #tpu.memory_space<vmem>> -> memref<128xf32, #tpu.memory_space<vmem>>
        %dma_wait3A_181 = tpu.memref_slice %arg23[%add3A_128] : memref<10000xf32, #tpu.memory_space<vmem_shared>> -> memref<128xf32, #tpu.memory_space<vmem_shared>>
        %dma_wait3A_182 = arith.constant 0 : i32
        %dma_wait3A_183 = tpu.memref_slice %arg13[%dma_wait3A_182] : memref<128xf32, #tpu.memory_space<vmem>> -> memref<128xf32, #tpu.memory_space<vmem>>
        %dma_wait3A_184 = tpu.memref_slice %arg23[%add3A_128] : memref<10000xf32, #tpu.memory_space<vmem_shared>> -> memref<128xf32, #tpu.memory_space<vmem_shared>>
        tpu.wait_dma2 semaphore(%run_scoped3A : memref<!tpu.dma_semaphore, #tpu.memory_space<semaphore_mem>>) src(%dma_wait3A_184 : memref<128xf32, #tpu.memory_space<vmem_shared>>) dst(%dma_wait3A_183 : memref<128xf32, #tpu.memory_space<vmem>>)
        tpu.yield
      }) : () -> ()
      %mul3A_129 = arith.constant 10000 : i32
      %mul3A_130 = arith.muli %arg0, %mul3A_129 : i32
      %add3A_131 = arith.addi %mul3A_130, %add3A_128 : i32
      "tpu.region"() ({
        %run_scoped3A = tpu.sem_alloc : memref<!tpu.dma_semaphore, #tpu.memory_space<semaphore_mem>>
        %dma_start3A = arith.constant 0 : i32
        %dma_start3A_174 = tpu.memref_slice %arg13[%dma_start3A] : memref<128xf32, #tpu.memory_space<vmem>> -> memref<128xf32, #tpu.memory_space<vmem>>
        %dma_start3A_175 = tpu.memref_slice %arg7[%add3A_131] : memref<20000xf32, #tpu.memory_space<hbm>> -> memref<128xf32, #tpu.memory_space<hbm>>
        %dma_start3A_176 = tpu.memref_slice %arg7[%add3A_131] : memref<20000xf32, #tpu.memory_space<hbm>> -> memref<128xf32, #tpu.memory_space<hbm>>
        %dma_start3A_177 = arith.constant 0 : i32
        %dma_start3A_178 = tpu.memref_slice %arg13[%dma_start3A_177] : memref<128xf32, #tpu.memory_space<vmem>> -> memref<128xf32, #tpu.memory_space<vmem>>
        tpu.enqueue_dma source(%dma_start3A_178 : memref<128xf32, #tpu.memory_space<vmem>>) target(%dma_start3A_176 : memref<128xf32, #tpu.memory_space<hbm>>) target_semaphore(%run_scoped3A : memref<!tpu.dma_semaphore, #tpu.memory_space<semaphore_mem>>)
        %dma_wait3A_179 = arith.constant 0 : i32
        %dma_wait3A_180 = tpu.memref_slice %arg13[%dma_wait3A_179] : memref<128xf32, #tpu.memory_space<vmem>> -> memref<128xf32, #tpu.memory_space<vmem>>
        %dma_wait3A_181 = tpu.memref_slice %arg7[%add3A_131] : memref<20000xf32, #tpu.memory_space<hbm>> -> memref<128xf32, #tpu.memory_space<hbm>>
        %dma_wait3A_182 = tpu.memref_slice %arg7[%add3A_131] : memref<20000xf32, #tpu.memory_space<hbm>> -> memref<128xf32, #tpu.memory_space<hbm>>
        %dma_wait3A_183 = arith.constant 0 : i32
        %dma_wait3A_184 = tpu.memref_slice %arg13[%dma_wait3A_183] : memref<128xf32, #tpu.memory_space<vmem>> -> memref<128xf32, #tpu.memory_space<vmem>>
        tpu.wait_dma2 semaphore(%run_scoped3A : memref<!tpu.dma_semaphore, #tpu.memory_space<semaphore_mem>>) src(%dma_wait3A_184 : memref<128xf32, #tpu.memory_space<vmem>>) dst(%dma_wait3A_182 : memref<128xf32, #tpu.memory_space<hbm>>)
        tpu.yield
      }) : () -> ()
      %mul3A_132 = arith.constant 1000 : i32
      %mul3A_133 = arith.muli %arg1, %mul3A_132 : i32
      %add3A_134 = arith.constant 256 : i32
      %add3A_135 = arith.addi %mul3A_133, %add3A_134 : i32
      "tpu.region"() ({
        %run_scoped3A = tpu.sem_alloc : memref<!tpu.dma_semaphore, #tpu.memory_space<semaphore_mem>>
        %dma_start3A = arith.constant 0 : i32
        %dma_start3A_174 = tpu.memref_slice %arg13[%dma_start3A] : memref<128xf32, #tpu.memory_space<vmem>> -> memref<128xf32, #tpu.memory_space<vmem>>
        %dma_start3A_175 = tpu.memref_slice %arg23[%add3A_135] : memref<10000xf32, #tpu.memory_space<vmem_shared>> -> memref<128xf32, #tpu.memory_space<vmem_shared>>
        %dma_start3A_176 = arith.constant 0 : i32
        %dma_start3A_177 = tpu.memref_slice %arg13[%dma_start3A_176] : memref<128xf32, #tpu.memory_space<vmem>> -> memref<128xf32, #tpu.memory_space<vmem>>
        %dma_start3A_178 = tpu.memref_slice %arg23[%add3A_135] : memref<10000xf32, #tpu.memory_space<vmem_shared>> -> memref<128xf32, #tpu.memory_space<vmem_shared>>
        tpu.enqueue_dma source(%dma_start3A_178 : memref<128xf32, #tpu.memory_space<vmem_shared>>) target(%dma_start3A_177 : memref<128xf32, #tpu.memory_space<vmem>>) target_semaphore(%run_scoped3A : memref<!tpu.dma_semaphore, #tpu.memory_space<semaphore_mem>>)
        %dma_wait3A_179 = arith.constant 0 : i32
        %dma_wait3A_180 = tpu.memref_slice %arg13[%dma_wait3A_179] : memref<128xf32, #tpu.memory_space<vmem>> -> memref<128xf32, #tpu.memory_space<vmem>>
        %dma_wait3A_181 = tpu.memref_slice %arg23[%add3A_135] : memref<10000xf32, #tpu.memory_space<vmem_shared>> -> memref<128xf32, #tpu.memory_space<vmem_shared>>
        %dma_wait3A_182 = arith.constant 0 : i32
        %dma_wait3A_183 = tpu.memref_slice %arg13[%dma_wait3A_182] : memref<128xf32, #tpu.memory_space<vmem>> -> memref<128xf32, #tpu.memory_space<vmem>>
        %dma_wait3A_184 = tpu.memref_slice %arg23[%add3A_135] : memref<10000xf32, #tpu.memory_space<vmem_shared>> -> memref<128xf32, #tpu.memory_space<vmem_shared>>
        tpu.wait_dma2 semaphore(%run_scoped3A : memref<!tpu.dma_semaphore, #tpu.memory_space<semaphore_mem>>) src(%dma_wait3A_184 : memref<128xf32, #tpu.memory_space<vmem_shared>>) dst(%dma_wait3A_183 : memref<128xf32, #tpu.memory_space<vmem>>)
        tpu.yield
      }) : () -> ()
      %mul3A_136 = arith.constant 10000 : i32
      %mul3A_137 = arith.muli %arg0, %mul3A_136 : i32
      %add3A_138 = arith.addi %mul3A_137, %add3A_135 : i32
      "tpu.region"() ({
        %run_scoped3A = tpu.sem_alloc : memref<!tpu.dma_semaphore, #tpu.memory_space<semaphore_mem>>
        %dma_start3A = arith.constant 0 : i32
        %dma_start3A_174 = tpu.memref_slice %arg13[%dma_start3A] : memref<128xf32, #tpu.memory_space<vmem>> -> memref<128xf32, #tpu.memory_space<vmem>>
        %dma_start3A_175 = tpu.memref_slice %arg7[%add3A_138] : memref<20000xf32, #tpu.memory_space<hbm>> -> memref<128xf32, #tpu.memory_space<hbm>>
        %dma_start3A_176 = tpu.memref_slice %arg7[%add3A_138] : memref<20000xf32, #tpu.memory_space<hbm>> -> memref<128xf32, #tpu.memory_space<hbm>>
        %dma_start3A_177 = arith.constant 0 : i32
        %dma_start3A_178 = tpu.memref_slice %arg13[%dma_start3A_177] : memref<128xf32, #tpu.memory_space<vmem>> -> memref<128xf32, #tpu.memory_space<vmem>>
        tpu.enqueue_dma source(%dma_start3A_178 : memref<128xf32, #tpu.memory_space<vmem>>) target(%dma_start3A_176 : memref<128xf32, #tpu.memory_space<hbm>>) target_semaphore(%run_scoped3A : memref<!tpu.dma_semaphore, #tpu.memory_space<semaphore_mem>>)
        %dma_wait3A_179 = arith.constant 0 : i32
        %dma_wait3A_180 = tpu.memref_slice %arg13[%dma_wait3A_179] : memref<128xf32, #tpu.memory_space<vmem>> -> memref<128xf32, #tpu.memory_space<vmem>>
        %dma_wait3A_181 = tpu.memref_slice %arg7[%add3A_138] : memref<20000xf32, #tpu.memory_space<hbm>> -> memref<128xf32, #tpu.memory_space<hbm>>
        %dma_wait3A_182 = tpu.memref_slice %arg7[%add3A_138] : memref<20000xf32, #tpu.memory_space<hbm>> -> memref<128xf32, #tpu.memory_space<hbm>>
        %dma_wait3A_183 = arith.constant 0 : i32
        %dma_wait3A_184 = tpu.memref_slice %arg13[%dma_wait3A_183] : memref<128xf32, #tpu.memory_space<vmem>> -> memref<128xf32, #tpu.memory_space<vmem>>
        tpu.wait_dma2 semaphore(%run_scoped3A : memref<!tpu.dma_semaphore, #tpu.memory_space<semaphore_mem>>) src(%dma_wait3A_184 : memref<128xf32, #tpu.memory_space<vmem>>) dst(%dma_wait3A_182 : memref<128xf32, #tpu.memory_space<hbm>>)
        tpu.yield
      }) : () -> ()
      %mul3A_139 = arith.constant 1000 : i32
      %mul3A_140 = arith.muli %arg1, %mul3A_139 : i32
      %add3A_141 = arith.constant 384 : i32
      %add3A_142 = arith.addi %mul3A_140, %add3A_141 : i32
      "tpu.region"() ({
        %run_scoped3A = tpu.sem_alloc : memref<!tpu.dma_semaphore, #tpu.memory_space<semaphore_mem>>
        %dma_start3A = arith.constant 0 : i32
        %dma_start3A_174 = tpu.memref_slice %arg13[%dma_start3A] : memref<128xf32, #tpu.memory_space<vmem>> -> memref<128xf32, #tpu.memory_space<vmem>>
        %dma_start3A_175 = tpu.memref_slice %arg23[%add3A_142] : memref<10000xf32, #tpu.memory_space<vmem_shared>> -> memref<128xf32, #tpu.memory_space<vmem_shared>>
        %dma_start3A_176 = arith.constant 0 : i32
        %dma_start3A_177 = tpu.memref_slice %arg13[%dma_start3A_176] : memref<128xf32, #tpu.memory_space<vmem>> -> memref<128xf32, #tpu.memory_space<vmem>>
        %dma_start3A_178 = tpu.memref_slice %arg23[%add3A_142] : memref<10000xf32, #tpu.memory_space<vmem_shared>> -> memref<128xf32, #tpu.memory_space<vmem_shared>>
        tpu.enqueue_dma source(%dma_start3A_178 : memref<128xf32, #tpu.memory_space<vmem_shared>>) target(%dma_start3A_177 : memref<128xf32, #tpu.memory_space<vmem>>) target_semaphore(%run_scoped3A : memref<!tpu.dma_semaphore, #tpu.memory_space<semaphore_mem>>)
        %dma_wait3A_179 = arith.constant 0 : i32
        %dma_wait3A_180 = tpu.memref_slice %arg13[%dma_wait3A_179] : memref<128xf32, #tpu.memory_space<vmem>> -> memref<128xf32, #tpu.memory_space<vmem>>
        %dma_wait3A_181 = tpu.memref_slice %arg23[%add3A_142] : memref<10000xf32, #tpu.memory_space<vmem_shared>> -> memref<128xf32, #tpu.memory_space<vmem_shared>>
        %dma_wait3A_182 = arith.constant 0 : i32
        %dma_wait3A_183 = tpu.memref_slice %arg13[%dma_wait3A_182] : memref<128xf32, #tpu.memory_space<vmem>> -> memref<128xf32, #tpu.memory_space<vmem>>
        %dma_wait3A_184 = tpu.memref_slice %arg23[%add3A_142] : memref<10000xf32, #tpu.memory_space<vmem_shared>> -> memref<128xf32, #tpu.memory_space<vmem_shared>>
        tpu.wait_dma2 semaphore(%run_scoped3A : memref<!tpu.dma_semaphore, #tpu.memory_space<semaphore_mem>>) src(%dma_wait3A_184 : memref<128xf32, #tpu.memory_space<vmem_shared>>) dst(%dma_wait3A_183 : memref<128xf32, #tpu.memory_space<vmem>>)
        tpu.yield
      }) : () -> ()
      %mul3A_143 = arith.constant 10000 : i32
      %mul3A_144 = arith.muli %arg0, %mul3A_143 : i32
      %add3A_145 = arith.addi %mul3A_144, %add3A_142 : i32
      "tpu.region"() ({
        %run_scoped3A = tpu.sem_alloc : memref<!tpu.dma_semaphore, #tpu.memory_space<semaphore_mem>>
        %dma_start3A = arith.constant 0 : i32
        %dma_start3A_174 = tpu.memref_slice %arg13[%dma_start3A] : memref<128xf32, #tpu.memory_space<vmem>> -> memref<128xf32, #tpu.memory_space<vmem>>
        %dma_start3A_175 = tpu.memref_slice %arg7[%add3A_145] : memref<20000xf32, #tpu.memory_space<hbm>> -> memref<128xf32, #tpu.memory_space<hbm>>
        %dma_start3A_176 = tpu.memref_slice %arg7[%add3A_145] : memref<20000xf32, #tpu.memory_space<hbm>> -> memref<128xf32, #tpu.memory_space<hbm>>
        %dma_start3A_177 = arith.constant 0 : i32
        %dma_start3A_178 = tpu.memref_slice %arg13[%dma_start3A_177] : memref<128xf32, #tpu.memory_space<vmem>> -> memref<128xf32, #tpu.memory_space<vmem>>
        tpu.enqueue_dma source(%dma_start3A_178 : memref<128xf32, #tpu.memory_space<vmem>>) target(%dma_start3A_176 : memref<128xf32, #tpu.memory_space<hbm>>) target_semaphore(%run_scoped3A : memref<!tpu.dma_semaphore, #tpu.memory_space<semaphore_mem>>)
        %dma_wait3A_179 = arith.constant 0 : i32
        %dma_wait3A_180 = tpu.memref_slice %arg13[%dma_wait3A_179] : memref<128xf32, #tpu.memory_space<vmem>> -> memref<128xf32, #tpu.memory_space<vmem>>
        %dma_wait3A_181 = tpu.memref_slice %arg7[%add3A_145] : memref<20000xf32, #tpu.memory_space<hbm>> -> memref<128xf32, #tpu.memory_space<hbm>>
        %dma_wait3A_182 = tpu.memref_slice %arg7[%add3A_145] : memref<20000xf32, #tpu.memory_space<hbm>> -> memref<128xf32, #tpu.memory_space<hbm>>
        %dma_wait3A_183 = arith.constant 0 : i32
        %dma_wait3A_184 = tpu.memref_slice %arg13[%dma_wait3A_183] : memref<128xf32, #tpu.memory_space<vmem>> -> memref<128xf32, #tpu.memory_space<vmem>>
        tpu.wait_dma2 semaphore(%run_scoped3A : memref<!tpu.dma_semaphore, #tpu.memory_space<semaphore_mem>>) src(%dma_wait3A_184 : memref<128xf32, #tpu.memory_space<vmem>>) dst(%dma_wait3A_182 : memref<128xf32, #tpu.memory_space<hbm>>)
        tpu.yield
      }) : () -> ()
      %mul3A_146 = arith.constant 1000 : i32
      %mul3A_147 = arith.muli %arg1, %mul3A_146 : i32
      %add3A_148 = arith.constant 512 : i32
      %add3A_149 = arith.addi %mul3A_147, %add3A_148 : i32
      "tpu.region"() ({
        %run_scoped3A = tpu.sem_alloc : memref<!tpu.dma_semaphore, #tpu.memory_space<semaphore_mem>>
        %dma_start3A = arith.constant 0 : i32
        %dma_start3A_174 = tpu.memref_slice %arg13[%dma_start3A] : memref<128xf32, #tpu.memory_space<vmem>> -> memref<128xf32, #tpu.memory_space<vmem>>
        %dma_start3A_175 = tpu.memref_slice %arg23[%add3A_149] : memref<10000xf32, #tpu.memory_space<vmem_shared>> -> memref<128xf32, #tpu.memory_space<vmem_shared>>
        %dma_start3A_176 = arith.constant 0 : i32
        %dma_start3A_177 = tpu.memref_slice %arg13[%dma_start3A_176] : memref<128xf32, #tpu.memory_space<vmem>> -> memref<128xf32, #tpu.memory_space<vmem>>
        %dma_start3A_178 = tpu.memref_slice %arg23[%add3A_149] : memref<10000xf32, #tpu.memory_space<vmem_shared>> -> memref<128xf32, #tpu.memory_space<vmem_shared>>
        tpu.enqueue_dma source(%dma_start3A_178 : memref<128xf32, #tpu.memory_space<vmem_shared>>) target(%dma_start3A_177 : memref<128xf32, #tpu.memory_space<vmem>>) target_semaphore(%run_scoped3A : memref<!tpu.dma_semaphore, #tpu.memory_space<semaphore_mem>>)
        %dma_wait3A_179 = arith.constant 0 : i32
        %dma_wait3A_180 = tpu.memref_slice %arg13[%dma_wait3A_179] : memref<128xf32, #tpu.memory_space<vmem>> -> memref<128xf32, #tpu.memory_space<vmem>>
        %dma_wait3A_181 = tpu.memref_slice %arg23[%add3A_149] : memref<10000xf32, #tpu.memory_space<vmem_shared>> -> memref<128xf32, #tpu.memory_space<vmem_shared>>
        %dma_wait3A_182 = arith.constant 0 : i32
        %dma_wait3A_183 = tpu.memref_slice %arg13[%dma_wait3A_182] : memref<128xf32, #tpu.memory_space<vmem>> -> memref<128xf32, #tpu.memory_space<vmem>>
        %dma_wait3A_184 = tpu.memref_slice %arg23[%add3A_149] : memref<10000xf32, #tpu.memory_space<vmem_shared>> -> memref<128xf32, #tpu.memory_space<vmem_shared>>
        tpu.wait_dma2 semaphore(%run_scoped3A : memref<!tpu.dma_semaphore, #tpu.memory_space<semaphore_mem>>) src(%dma_wait3A_184 : memref<128xf32, #tpu.memory_space<vmem_shared>>) dst(%dma_wait3A_183 : memref<128xf32, #tpu.memory_space<vmem>>)
        tpu.yield
      }) : () -> ()
      %mul3A_150 = arith.constant 10000 : i32
      %mul3A_151 = arith.muli %arg0, %mul3A_150 : i32
      %add3A_152 = arith.addi %mul3A_151, %add3A_149 : i32
      "tpu.region"() ({
        %run_scoped3A = tpu.sem_alloc : memref<!tpu.dma_semaphore, #tpu.memory_space<semaphore_mem>>
        %dma_start3A = arith.constant 0 : i32
        %dma_start3A_174 = tpu.memref_slice %arg13[%dma_start3A] : memref<128xf32, #tpu.memory_space<vmem>> -> memref<128xf32, #tpu.memory_space<vmem>>
        %dma_start3A_175 = tpu.memref_slice %arg7[%add3A_152] : memref<20000xf32, #tpu.memory_space<hbm>> -> memref<128xf32, #tpu.memory_space<hbm>>
        %dma_start3A_176 = tpu.memref_slice %arg7[%add3A_152] : memref<20000xf32, #tpu.memory_space<hbm>> -> memref<128xf32, #tpu.memory_space<hbm>>
        %dma_start3A_177 = arith.constant 0 : i32
        %dma_start3A_178 = tpu.memref_slice %arg13[%dma_start3A_177] : memref<128xf32, #tpu.memory_space<vmem>> -> memref<128xf32, #tpu.memory_space<vmem>>
        tpu.enqueue_dma source(%dma_start3A_178 : memref<128xf32, #tpu.memory_space<vmem>>) target(%dma_start3A_176 : memref<128xf32, #tpu.memory_space<hbm>>) target_semaphore(%run_scoped3A : memref<!tpu.dma_semaphore, #tpu.memory_space<semaphore_mem>>)
        %dma_wait3A_179 = arith.constant 0 : i32
        %dma_wait3A_180 = tpu.memref_slice %arg13[%dma_wait3A_179] : memref<128xf32, #tpu.memory_space<vmem>> -> memref<128xf32, #tpu.memory_space<vmem>>
        %dma_wait3A_181 = tpu.memref_slice %arg7[%add3A_152] : memref<20000xf32, #tpu.memory_space<hbm>> -> memref<128xf32, #tpu.memory_space<hbm>>
        %dma_wait3A_182 = tpu.memref_slice %arg7[%add3A_152] : memref<20000xf32, #tpu.memory_space<hbm>> -> memref<128xf32, #tpu.memory_space<hbm>>
        %dma_wait3A_183 = arith.constant 0 : i32
        %dma_wait3A_184 = tpu.memref_slice %arg13[%dma_wait3A_183] : memref<128xf32, #tpu.memory_space<vmem>> -> memref<128xf32, #tpu.memory_space<vmem>>
        tpu.wait_dma2 semaphore(%run_scoped3A : memref<!tpu.dma_semaphore, #tpu.memory_space<semaphore_mem>>) src(%dma_wait3A_184 : memref<128xf32, #tpu.memory_space<vmem>>) dst(%dma_wait3A_182 : memref<128xf32, #tpu.memory_space<hbm>>)
        tpu.yield
      }) : () -> ()
      %mul3A_153 = arith.constant 1000 : i32
      %mul3A_154 = arith.muli %arg1, %mul3A_153 : i32
      %add3A_155 = arith.constant 640 : i32
      %add3A_156 = arith.addi %mul3A_154, %add3A_155 : i32
      "tpu.region"() ({
        %run_scoped3A = tpu.sem_alloc : memref<!tpu.dma_semaphore, #tpu.memory_space<semaphore_mem>>
        %dma_start3A = arith.constant 0 : i32
        %dma_start3A_174 = tpu.memref_slice %arg13[%dma_start3A] : memref<128xf32, #tpu.memory_space<vmem>> -> memref<128xf32, #tpu.memory_space<vmem>>
        %dma_start3A_175 = tpu.memref_slice %arg23[%add3A_156] : memref<10000xf32, #tpu.memory_space<vmem_shared>> -> memref<128xf32, #tpu.memory_space<vmem_shared>>
        %dma_start3A_176 = arith.constant 0 : i32
        %dma_start3A_177 = tpu.memref_slice %arg13[%dma_start3A_176] : memref<128xf32, #tpu.memory_space<vmem>> -> memref<128xf32, #tpu.memory_space<vmem>>
        %dma_start3A_178 = tpu.memref_slice %arg23[%add3A_156] : memref<10000xf32, #tpu.memory_space<vmem_shared>> -> memref<128xf32, #tpu.memory_space<vmem_shared>>
        tpu.enqueue_dma source(%dma_start3A_178 : memref<128xf32, #tpu.memory_space<vmem_shared>>) target(%dma_start3A_177 : memref<128xf32, #tpu.memory_space<vmem>>) target_semaphore(%run_scoped3A : memref<!tpu.dma_semaphore, #tpu.memory_space<semaphore_mem>>)
        %dma_wait3A_179 = arith.constant 0 : i32
        %dma_wait3A_180 = tpu.memref_slice %arg13[%dma_wait3A_179] : memref<128xf32, #tpu.memory_space<vmem>> -> memref<128xf32, #tpu.memory_space<vmem>>
        %dma_wait3A_181 = tpu.memref_slice %arg23[%add3A_156] : memref<10000xf32, #tpu.memory_space<vmem_shared>> -> memref<128xf32, #tpu.memory_space<vmem_shared>>
        %dma_wait3A_182 = arith.constant 0 : i32
        %dma_wait3A_183 = tpu.memref_slice %arg13[%dma_wait3A_182] : memref<128xf32, #tpu.memory_space<vmem>> -> memref<128xf32, #tpu.memory_space<vmem>>
        %dma_wait3A_184 = tpu.memref_slice %arg23[%add3A_156] : memref<10000xf32, #tpu.memory_space<vmem_shared>> -> memref<128xf32, #tpu.memory_space<vmem_shared>>
        tpu.wait_dma2 semaphore(%run_scoped3A : memref<!tpu.dma_semaphore, #tpu.memory_space<semaphore_mem>>) src(%dma_wait3A_184 : memref<128xf32, #tpu.memory_space<vmem_shared>>) dst(%dma_wait3A_183 : memref<128xf32, #tpu.memory_space<vmem>>)
        tpu.yield
      }) : () -> ()
      %mul3A_157 = arith.constant 10000 : i32
      %mul3A_158 = arith.muli %arg0, %mul3A_157 : i32
      %add3A_159 = arith.addi %mul3A_158, %add3A_156 : i32
      "tpu.region"() ({
        %run_scoped3A = tpu.sem_alloc : memref<!tpu.dma_semaphore, #tpu.memory_space<semaphore_mem>>
        %dma_start3A = arith.constant 0 : i32
        %dma_start3A_174 = tpu.memref_slice %arg13[%dma_start3A] : memref<128xf32, #tpu.memory_space<vmem>> -> memref<128xf32, #tpu.memory_space<vmem>>
        %dma_start3A_175 = tpu.memref_slice %arg7[%add3A_159] : memref<20000xf32, #tpu.memory_space<hbm>> -> memref<128xf32, #tpu.memory_space<hbm>>
        %dma_start3A_176 = tpu.memref_slice %arg7[%add3A_159] : memref<20000xf32, #tpu.memory_space<hbm>> -> memref<128xf32, #tpu.memory_space<hbm>>
        %dma_start3A_177 = arith.constant 0 : i32
        %dma_start3A_178 = tpu.memref_slice %arg13[%dma_start3A_177] : memref<128xf32, #tpu.memory_space<vmem>> -> memref<128xf32, #tpu.memory_space<vmem>>
        tpu.enqueue_dma source(%dma_start3A_178 : memref<128xf32, #tpu.memory_space<vmem>>) target(%dma_start3A_176 : memref<128xf32, #tpu.memory_space<hbm>>) target_semaphore(%run_scoped3A : memref<!tpu.dma_semaphore, #tpu.memory_space<semaphore_mem>>)
        %dma_wait3A_179 = arith.constant 0 : i32
        %dma_wait3A_180 = tpu.memref_slice %arg13[%dma_wait3A_179] : memref<128xf32, #tpu.memory_space<vmem>> -> memref<128xf32, #tpu.memory_space<vmem>>
        %dma_wait3A_181 = tpu.memref_slice %arg7[%add3A_159] : memref<20000xf32, #tpu.memory_space<hbm>> -> memref<128xf32, #tpu.memory_space<hbm>>
        %dma_wait3A_182 = tpu.memref_slice %arg7[%add3A_159] : memref<20000xf32, #tpu.memory_space<hbm>> -> memref<128xf32, #tpu.memory_space<hbm>>
        %dma_wait3A_183 = arith.constant 0 : i32
        %dma_wait3A_184 = tpu.memref_slice %arg13[%dma_wait3A_183] : memref<128xf32, #tpu.memory_space<vmem>> -> memref<128xf32, #tpu.memory_space<vmem>>
        tpu.wait_dma2 semaphore(%run_scoped3A : memref<!tpu.dma_semaphore, #tpu.memory_space<semaphore_mem>>) src(%dma_wait3A_184 : memref<128xf32, #tpu.memory_space<vmem>>) dst(%dma_wait3A_182 : memref<128xf32, #tpu.memory_space<hbm>>)
        tpu.yield
      }) : () -> ()
      %mul3A_160 = arith.constant 1000 : i32
      %mul3A_161 = arith.muli %arg1, %mul3A_160 : i32
      %add3A_162 = arith.constant 768 : i32
      %add3A_163 = arith.addi %mul3A_161, %add3A_162 : i32
      "tpu.region"() ({
        %run_scoped3A = tpu.sem_alloc : memref<!tpu.dma_semaphore, #tpu.memory_space<semaphore_mem>>
        %dma_start3A = arith.constant 0 : i32
        %dma_start3A_174 = tpu.memref_slice %arg13[%dma_start3A] : memref<128xf32, #tpu.memory_space<vmem>> -> memref<128xf32, #tpu.memory_space<vmem>>
        %dma_start3A_175 = tpu.memref_slice %arg23[%add3A_163] : memref<10000xf32, #tpu.memory_space<vmem_shared>> -> memref<128xf32, #tpu.memory_space<vmem_shared>>
        %dma_start3A_176 = arith.constant 0 : i32
        %dma_start3A_177 = tpu.memref_slice %arg13[%dma_start3A_176] : memref<128xf32, #tpu.memory_space<vmem>> -> memref<128xf32, #tpu.memory_space<vmem>>
        %dma_start3A_178 = tpu.memref_slice %arg23[%add3A_163] : memref<10000xf32, #tpu.memory_space<vmem_shared>> -> memref<128xf32, #tpu.memory_space<vmem_shared>>
        tpu.enqueue_dma source(%dma_start3A_178 : memref<128xf32, #tpu.memory_space<vmem_shared>>) target(%dma_start3A_177 : memref<128xf32, #tpu.memory_space<vmem>>) target_semaphore(%run_scoped3A : memref<!tpu.dma_semaphore, #tpu.memory_space<semaphore_mem>>)
        %dma_wait3A_179 = arith.constant 0 : i32
        %dma_wait3A_180 = tpu.memref_slice %arg13[%dma_wait3A_179] : memref<128xf32, #tpu.memory_space<vmem>> -> memref<128xf32, #tpu.memory_space<vmem>>
        %dma_wait3A_181 = tpu.memref_slice %arg23[%add3A_163] : memref<10000xf32, #tpu.memory_space<vmem_shared>> -> memref<128xf32, #tpu.memory_space<vmem_shared>>
        %dma_wait3A_182 = arith.constant 0 : i32
        %dma_wait3A_183 = tpu.memref_slice %arg13[%dma_wait3A_182] : memref<128xf32, #tpu.memory_space<vmem>> -> memref<128xf32, #tpu.memory_space<vmem>>
        %dma_wait3A_184 = tpu.memref_slice %arg23[%add3A_163] : memref<10000xf32, #tpu.memory_space<vmem_shared>> -> memref<128xf32, #tpu.memory_space<vmem_shared>>
        tpu.wait_dma2 semaphore(%run_scoped3A : memref<!tpu.dma_semaphore, #tpu.memory_space<semaphore_mem>>) src(%dma_wait3A_184 : memref<128xf32, #tpu.memory_space<vmem_shared>>) dst(%dma_wait3A_183 : memref<128xf32, #tpu.memory_space<vmem>>)
        tpu.yield
      }) : () -> ()
      %mul3A_164 = arith.constant 10000 : i32
      %mul3A_165 = arith.muli %arg0, %mul3A_164 : i32
      %add3A_166 = arith.addi %mul3A_165, %add3A_163 : i32
      "tpu.region"() ({
        %run_scoped3A = tpu.sem_alloc : memref<!tpu.dma_semaphore, #tpu.memory_space<semaphore_mem>>
        %dma_start3A = arith.constant 0 : i32
        %dma_start3A_174 = tpu.memref_slice %arg13[%dma_start3A] : memref<128xf32, #tpu.memory_space<vmem>> -> memref<128xf32, #tpu.memory_space<vmem>>
        %dma_start3A_175 = tpu.memref_slice %arg7[%add3A_166] : memref<20000xf32, #tpu.memory_space<hbm>> -> memref<128xf32, #tpu.memory_space<hbm>>
        %dma_start3A_176 = tpu.memref_slice %arg7[%add3A_166] : memref<20000xf32, #tpu.memory_space<hbm>> -> memref<128xf32, #tpu.memory_space<hbm>>
        %dma_start3A_177 = arith.constant 0 : i32
        %dma_start3A_178 = tpu.memref_slice %arg13[%dma_start3A_177] : memref<128xf32, #tpu.memory_space<vmem>> -> memref<128xf32, #tpu.memory_space<vmem>>
        tpu.enqueue_dma source(%dma_start3A_178 : memref<128xf32, #tpu.memory_space<vmem>>) target(%dma_start3A_176 : memref<128xf32, #tpu.memory_space<hbm>>) target_semaphore(%run_scoped3A : memref<!tpu.dma_semaphore, #tpu.memory_space<semaphore_mem>>)
        %dma_wait3A_179 = arith.constant 0 : i32
        %dma_wait3A_180 = tpu.memref_slice %arg13[%dma_wait3A_179] : memref<128xf32, #tpu.memory_space<vmem>> -> memref<128xf32, #tpu.memory_space<vmem>>
        %dma_wait3A_181 = tpu.memref_slice %arg7[%add3A_166] : memref<20000xf32, #tpu.memory_space<hbm>> -> memref<128xf32, #tpu.memory_space<hbm>>
        %dma_wait3A_182 = tpu.memref_slice %arg7[%add3A_166] : memref<20000xf32, #tpu.memory_space<hbm>> -> memref<128xf32, #tpu.memory_space<hbm>>
        %dma_wait3A_183 = arith.constant 0 : i32
        %dma_wait3A_184 = tpu.memref_slice %arg13[%dma_wait3A_183] : memref<128xf32, #tpu.memory_space<vmem>> -> memref<128xf32, #tpu.memory_space<vmem>>
        tpu.wait_dma2 semaphore(%run_scoped3A : memref<!tpu.dma_semaphore, #tpu.memory_space<semaphore_mem>>) src(%dma_wait3A_184 : memref<128xf32, #tpu.memory_space<vmem>>) dst(%dma_wait3A_182 : memref<128xf32, #tpu.memory_space<hbm>>)
        tpu.yield
      }) : () -> ()
      %mul3A_167 = arith.constant 1000 : i32
      %mul3A_168 = arith.muli %arg1, %mul3A_167 : i32
      %add3A_169 = arith.constant 896 : i32
      %add3A_170 = arith.addi %mul3A_168, %add3A_169 : i32
      "tpu.region"() ({
        %run_scoped3A = tpu.sem_alloc : memref<!tpu.dma_semaphore, #tpu.memory_space<semaphore_mem>>
        %dma_start3A = arith.constant 0 : i32
        %dma_start3A_174 = tpu.memref_slice %arg13[%dma_start3A] : memref<128xf32, #tpu.memory_space<vmem>> -> memref<104xf32, #tpu.memory_space<vmem>>
        %dma_start3A_175 = tpu.memref_slice %arg23[%add3A_170] : memref<10000xf32, #tpu.memory_space<vmem_shared>> -> memref<104xf32, #tpu.memory_space<vmem_shared>>
        %dma_start3A_176 = arith.constant 0 : i32
        %dma_start3A_177 = tpu.memref_slice %arg13[%dma_start3A_176] : memref<128xf32, #tpu.memory_space<vmem>> -> memref<104xf32, #tpu.memory_space<vmem>>
        %dma_start3A_178 = tpu.memref_slice %arg23[%add3A_170] : memref<10000xf32, #tpu.memory_space<vmem_shared>> -> memref<104xf32, #tpu.memory_space<vmem_shared>>
        tpu.enqueue_dma source(%dma_start3A_178 : memref<104xf32, #tpu.memory_space<vmem_shared>>) target(%dma_start3A_177 : memref<104xf32, #tpu.memory_space<vmem>>) target_semaphore(%run_scoped3A : memref<!tpu.dma_semaphore, #tpu.memory_space<semaphore_mem>>)
        %dma_wait3A_179 = arith.constant 0 : i32
        %dma_wait3A_180 = tpu.memref_slice %arg13[%dma_wait3A_179] : memref<128xf32, #tpu.memory_space<vmem>> -> memref<104xf32, #tpu.memory_space<vmem>>
        %dma_wait3A_181 = tpu.memref_slice %arg23[%add3A_170] : memref<10000xf32, #tpu.memory_space<vmem_shared>> -> memref<104xf32, #tpu.memory_space<vmem_shared>>
        %dma_wait3A_182 = arith.constant 0 : i32
        %dma_wait3A_183 = tpu.memref_slice %arg13[%dma_wait3A_182] : memref<128xf32, #tpu.memory_space<vmem>> -> memref<104xf32, #tpu.memory_space<vmem>>
        %dma_wait3A_184 = tpu.memref_slice %arg23[%add3A_170] : memref<10000xf32, #tpu.memory_space<vmem_shared>> -> memref<104xf32, #tpu.memory_space<vmem_shared>>
        tpu.wait_dma2 semaphore(%run_scoped3A : memref<!tpu.dma_semaphore, #tpu.memory_space<semaphore_mem>>) src(%dma_wait3A_184 : memref<104xf32, #tpu.memory_space<vmem_shared>>) dst(%dma_wait3A_183 : memref<104xf32, #tpu.memory_space<vmem>>)
        tpu.yield
      }) : () -> ()
      %mul3A_171 = arith.constant 10000 : i32
      %mul3A_172 = arith.muli %arg0, %mul3A_171 : i32
      %add3A_173 = arith.addi %mul3A_172, %add3A_170 : i32
      "tpu.region"() ({
        %run_scoped3A = tpu.sem_alloc : memref<!tpu.dma_semaphore, #tpu.memory_space<semaphore_mem>>
        %dma_start3A = arith.constant 0 : i32
        %dma_start3A_174 = tpu.memref_slice %arg13[%dma_start3A] : memref<128xf32, #tpu.memory_space<vmem>> -> memref<104xf32, #tpu.memory_space<vmem>>
        %dma_start3A_175 = tpu.memref_slice %arg7[%add3A_173] : memref<20000xf32, #tpu.memory_space<hbm>> -> memref<104xf32, #tpu.memory_space<hbm>>
        %dma_start3A_176 = tpu.memref_slice %arg7[%add3A_173] : memref<20000xf32, #tpu.memory_space<hbm>> -> memref<104xf32, #tpu.memory_space<hbm>>
        %dma_start3A_177 = arith.constant 0 : i32
        %dma_start3A_178 = tpu.memref_slice %arg13[%dma_start3A_177] : memref<128xf32, #tpu.memory_space<vmem>> -> memref<104xf32, #tpu.memory_space<vmem>>
        tpu.enqueue_dma source(%dma_start3A_178 : memref<104xf32, #tpu.memory_space<vmem>>) target(%dma_start3A_176 : memref<104xf32, #tpu.memory_space<hbm>>) target_semaphore(%run_scoped3A : memref<!tpu.dma_semaphore, #tpu.memory_space<semaphore_mem>>)
        %dma_wait3A_179 = arith.constant 0 : i32
        %dma_wait3A_180 = tpu.memref_slice %arg13[%dma_wait3A_179] : memref<128xf32, #tpu.memory_space<vmem>> -> memref<104xf32, #tpu.memory_space<vmem>>
        %dma_wait3A_181 = tpu.memref_slice %arg7[%add3A_173] : memref<20000xf32, #tpu.memory_space<hbm>> -> memref<104xf32, #tpu.memory_space<hbm>>
        %dma_wait3A_182 = tpu.memref_slice %arg7[%add3A_173] : memref<20000xf32, #tpu.memory_space<hbm>> -> memref<104xf32, #tpu.memory_space<hbm>>
        %dma_wait3A_183 = arith.constant 0 : i32
        %dma_wait3A_184 = tpu.memref_slice %arg13[%dma_wait3A_183] : memref<128xf32, #tpu.memory_space<vmem>> -> memref<104xf32, #tpu.memory_space<vmem>>
        tpu.wait_dma2 semaphore(%run_scoped3A : memref<!tpu.dma_semaphore, #tpu.memory_space<semaphore_mem>>) src(%dma_wait3A_184 : memref<104xf32, #tpu.memory_space<vmem>>) dst(%dma_wait3A_182 : memref<104xf32, #tpu.memory_space<hbm>>)
        tpu.yield
      }) : () -> ()
    } else {
    }
    return
  }
}

module attributes {stable_mosaic.version = 14 : i64} {
  func.func @_mm_body(%arg0: i32, %arg1: memref<6400x128xf32, #tpu.memory_space<vmem>>, %arg2: memref<128x128xf32, #tpu.memory_space<vmem>>, %arg3: memref<1x128xf32, #tpu.memory_space<vmem>>, %arg4: memref<6400x128xf32, #tpu.memory_space<vmem>>) attributes {dimension_semantics = [#tpu.dimension_semantics<arbitrary>], iteration_bounds = array<i64: 50>, scalar_prefetch = 0 : i64, scratch_operands = 0 : i64, tpu.core_type = #tpu.core_type<tc>, window_params = [{transform_indices = @transform_0, window_bounds = array<i64: 6400, 128>}, {pipeline_mode = #tpu.pipeline_mode<synchronous>, transform_indices = @transform_1, window_bounds = array<i64: 128, 128>}, {pipeline_mode = #tpu.pipeline_mode<synchronous>, transform_indices = @transform_2, window_bounds = array<i64: 1, 128>}, {transform_indices = @transform_3, window_bounds = array<i64: 6400, 128>}]} {
    %get3A = arith.constant 0 : index
    %get3A_0 = arith.constant 0 : index
    %get3A_1 = vector.load %arg1[%get3A, %get3A_0] : memref<6400x128xf32, #tpu.memory_space<vmem>>, vector<6400x128xf32>
    %get3A_2 = arith.constant 0 : index
    %get3A_3 = arith.constant 0 : index
    %get3A_4 = vector.load %arg2[%get3A_2, %get3A_3] : memref<128x128xf32, #tpu.memory_space<vmem>>, vector<128x128xf32>
    %dot_general3A = arith.constant dense<0.000000e+00> : vector<6400x128xf32>
    %dot_general3A_5 = tpu.matmul %get3A_1, %get3A_4, %dot_general3A {dimension_numbers = #tpu.dot_dimension_numbers<[1], [0], [0], [1], [0, 0, 1, 1], [], []>, transpose_lhs_hint = false} : vector<6400x128xf32>, vector<128x128xf32>, vector<6400x128xf32> -> vector<6400x128xf32>
    %get3A_6 = arith.constant 0 : index
    %get3A_7 = arith.constant 0 : index
    %get3A_8 = vector.load %arg3[%get3A_6, %get3A_7] : memref<1x128xf32, #tpu.memory_space<vmem>>, vector<1x128xf32>
    %add3A = vector.broadcast %get3A_8 : vector<1x128xf32> to vector<6400x128xf32>
    %add3A_9 = arith.addf %dot_general3A_5, %add3A : vector<6400x128xf32>
    %max3A = arith.constant 0.000000e+00 : f32
    %max3A_10 = vector.broadcast %max3A : f32 to vector<6400x128xf32>
    %max3A_11 = arith.maximumf %add3A_9, %max3A_10 : vector<6400x128xf32>
    %swap3A = arith.constant 0 : index
    %swap3A_12 = arith.constant 0 : index
    %swap3A_13 = vector.load %arg4[%swap3A, %swap3A_12] : memref<6400x128xf32, #tpu.memory_space<vmem>>, vector<6400x128xf32>
    tpu.vector_store %arg4[%swap3A, %swap3A_12], %max3A_11 {strides = array<i32>} : memref<6400x128xf32, #tpu.memory_space<vmem>>, vector<6400x128xf32>,
    return
  }
  func.func @transform_0(%arg0: i32) -> (i32, i32) {
    %add3A = arith.constant 0 : i32
    %add3A_0 = arith.addi %arg0, %add3A : i32
    %c0_i32 = arith.constant 0 : i32
    %c0_i32_1 = arith.constant 0 : i32
    return %add3A_0, %c0_i32 : i32, i32
  }
  func.func @transform_1(%arg0: i32) -> (i32, i32) {
    %c0_i32 = arith.constant 0 : i32
    %c0_i32_0 = arith.constant 0 : i32
    %c0_i32_1 = arith.constant 0 : i32
    return %c0_i32, %c0_i32_0 : i32, i32
  }
  func.func @transform_2(%arg0: i32) -> (i32, i32) {
    %c0_i32 = arith.constant 0 : i32
    %c0_i32_0 = arith.constant 0 : i32
    %c0_i32_1 = arith.constant 0 : i32
    return %c0_i32, %c0_i32_0 : i32, i32
  }
  func.func @transform_3(%arg0: i32) -> (i32, i32) {
    %c0_i32 = arith.constant 0 : i32
    %c0_i32_0 = arith.constant 0 : i32
    return %arg0, %c0_i32 : i32, i32
  }
}

module attributes {stable_mosaic.version = 14 : i64} {
  func.func @_tail_body(%arg0: i32, %arg1: memref<2x2000x128xf32, #tpu.memory_space<vmem>>, %arg2: memref<2000x2xf32, #tpu.memory_space<vmem>>, %arg3: memref<128x128xf32, #tpu.memory_space<vmem>>, %arg4: memref<1x128xf32, #tpu.memory_space<vmem>>, %arg5: memref<128x128xf32, #tpu.memory_space<vmem>>, %arg6: memref<1x128xf32, #tpu.memory_space<vmem>>, %arg7: memref<128x2xf32, #tpu.memory_space<vmem>>, %arg8: memref<1x2xf32, #tpu.memory_space<vmem>>, %arg9: memref<2000x2xf32, #tpu.memory_space<vmem>>, %arg10: memref<2000x2xf32, #tpu.memory_space<vmem>>) attributes {dimension_semantics = [#tpu.dimension_semantics<arbitrary>], iteration_bounds = array<i64: 5>, scalar_prefetch = 0 : i64, scratch_operands = 0 : i64, tpu.core_type = #tpu.core_type<tc>, window_params = [{transform_indices = @transform_0, window_bounds = array<i64: 2, 2000, 128>}, {transform_indices = @transform_1, window_bounds = array<i64: 2000, 2>}, {pipeline_mode = #tpu.pipeline_mode<synchronous>, transform_indices = @transform_2, window_bounds = array<i64: 128, 128>}, {pipeline_mode = #tpu.pipeline_mode<synchronous>, transform_indices = @transform_3, window_bounds = array<i64: 1, 128>}, {pipeline_mode = #tpu.pipeline_mode<synchronous>, transform_indices = @transform_4, window_bounds = array<i64: 128, 128>}, {pipeline_mode = #tpu.pipeline_mode<synchronous>, transform_indices = @transform_5, window_bounds = array<i64: 1, 128>}, {pipeline_mode = #tpu.pipeline_mode<synchronous>, transform_indices = @transform_6, window_bounds = array<i64: 128, 2>}, {pipeline_mode = #tpu.pipeline_mode<synchronous>, transform_indices = @transform_7, window_bounds = array<i64: 1, 2>}, {transform_indices = @transform_8, window_bounds = array<i64: 2000, 2>}, {transform_indices = @transform_9, window_bounds = array<i64: 2000, 2>}]} {
    %get3A = arith.constant 0 : index
    %get3A_0 = arith.constant 0 : index
    %get3A_1 = arith.constant 0 : index
    %get3A_2 = vector.load %arg1[%get3A, %get3A_0, %get3A_1] : memref<2x2000x128xf32, #tpu.memory_space<vmem>>, vector<1x2000x128xf32>
    %get3A_3 = vector.shape_cast %get3A_2 : vector<1x2000x128xf32> to vector<2000x128xf32>
    %get3A_4 = arith.constant 1 : index
    %get3A_5 = arith.constant 0 : index
    %get3A_6 = arith.constant 0 : index
    %get3A_7 = vector.load %arg1[%get3A_4, %get3A_5, %get3A_6] : memref<2x2000x128xf32, #tpu.memory_space<vmem>>, vector<1x2000x128xf32>
    %get3A_8 = vector.shape_cast %get3A_7 : vector<1x2000x128xf32> to vector<2000x128xf32>
    %add3A = arith.addf %get3A_3, %get3A_8 : vector<2000x128xf32>
    %get3A_9 = arith.constant 0 : index
    %get3A_10 = arith.constant 0 : index
    %get3A_11 = vector.load %arg2[%get3A_9, %get3A_10] : memref<2000x2xf32, #tpu.memory_space<vmem>>, vector<2000x1xf32>
    %get3A_12 = vector.shape_cast %get3A_11 : vector<2000x1xf32> to vector<2000xf32>
    %get3A_13 = arith.constant 0 : index
    %get3A_14 = arith.constant 1 : index
    %get3A_15 = vector.load %arg2[%get3A_13, %get3A_14] : memref<2000x2xf32, #tpu.memory_space<vmem>>, vector<2000x1xf32>
    %get3A_16 = vector.shape_cast %get3A_15 : vector<2000x1xf32> to vector<2000xf32>
    %add3A_17 = arith.addf %get3A_12, %get3A_16 : vector<2000xf32>
    %get3A_18 = arith.constant 0 : index
    %get3A_19 = arith.constant 0 : index
    %get3A_20 = vector.load %arg3[%get3A_18, %get3A_19] : memref<128x128xf32, #tpu.memory_space<vmem>>, vector<128x128xf32>
    %dot_general3A = arith.constant dense<0.000000e+00> : vector<2000x128xf32>
    %dot_general3A_21 = tpu.matmul %add3A, %get3A_20, %dot_general3A {dimension_numbers = #tpu.dot_dimension_numbers<[1], [0], [0], [1], [0, 0, 1, 1], [], []>, transpose_lhs_hint = false} : vector<2000x128xf32>, vector<128x128xf32>, vector<2000x128xf32> -> vector<2000x128xf32>
    %max3A = arith.constant 1.000000e+00 : f32
    %max3A_22 = vector.broadcast %max3A : f32 to vector<2000xf32>
    %max3A_23 = arith.maximumf %add3A_17, %max3A_22 : vector<2000xf32>
    %broadcast_in_dim3A = vector.shape_cast %max3A_23 : vector<2000xf32> to vector<2000x1xf32>
    %div3A = vector.broadcast %broadcast_in_dim3A : vector<2000x1xf32> to vector<2000x128xf32>
    %div3A_24 = arith.divf %dot_general3A_21, %div3A : vector<2000x128xf32>
    %get3A_25 = arith.constant 0 : index
    %get3A_26 = arith.constant 0 : index
    %get3A_27 = vector.load %arg4[%get3A_25, %get3A_26] : memref<1x128xf32, #tpu.memory_space<vmem>>, vector<1x128xf32>
    %gt3A = arith.constant 0.000000e+00 : f32
    %gt3A_28 = vector.broadcast %gt3A : f32 to vector<2000xf32>
    %gt3A_29 = arith.cmpf ogt, %add3A_17, %gt3A_28 : vector<2000xf32>
    %jit3A = arith.constant 1.000000e+00 : f32
    %jit3A_30 = arith.constant 0.000000e+00 : f32
    %broadcast_in_dim3A_31 = vector.broadcast %jit3A : f32 to vector<2000xf32>
    %broadcast_in_dim3A_32 = vector.broadcast %jit3A_30 : f32 to vector<2000xf32>
    %select_n3A = arith.select %gt3A_29, %broadcast_in_dim3A_31, %broadcast_in_dim3A_32 : vector<2000xi1>, vector<2000xf32>
    %broadcast_in_dim3A_33 = vector.shape_cast %select_n3A : vector<2000xf32> to vector<2000x1xf32>
    %mul3A = vector.broadcast %get3A_27 : vector<1x128xf32> to vector<2000x128xf32>
    %mul3A_34 = vector.broadcast %broadcast_in_dim3A_33 : vector<2000x1xf32> to vector<2000x128xf32>
    %mul3A_35 = arith.mulf %mul3A, %mul3A_34 : vector<2000x128xf32>
    %add3A_36 = arith.addf %div3A_24, %mul3A_35 : vector<2000x128xf32>
    %get3A_37 = arith.constant 0 : index
    %get3A_38 = arith.constant 0 : index
    %get3A_39 = vector.load %arg5[%get3A_37, %get3A_38] : memref<128x128xf32, #tpu.memory_space<vmem>>, vector<128x128xf32>
    %dot_general3A_40 = arith.constant dense<0.000000e+00> : vector<2000x128xf32>
    %dot_general3A_41 = tpu.matmul %add3A_36, %get3A_39, %dot_general3A_40 {dimension_numbers = #tpu.dot_dimension_numbers<[1], [0], [0], [1], [0, 0, 1, 1], [], []>, transpose_lhs_hint = false} : vector<2000x128xf32>, vector<128x128xf32>, vector<2000x128xf32> -> vector<2000x128xf32>
    %get3A_42 = arith.constant 0 : index
    %get3A_43 = arith.constant 0 : index
    %get3A_44 = vector.load %arg6[%get3A_42, %get3A_43] : memref<1x128xf32, #tpu.memory_space<vmem>>, vector<1x128xf32>
    %add3A_45 = vector.broadcast %get3A_44 : vector<1x128xf32> to vector<2000x128xf32>
    %add3A_46 = arith.addf %dot_general3A_41, %add3A_45 : vector<2000x128xf32>
    %max3A_47 = arith.constant 0.000000e+00 : f32
    %max3A_48 = vector.broadcast %max3A_47 : f32 to vector<2000x128xf32>
    %max3A_49 = arith.maximumf %add3A_46, %max3A_48 : vector<2000x128xf32>
    %get3A_50 = arith.constant 0 : index
    %get3A_51 = arith.constant 0 : index
    %get3A_52 = vector.load %arg7[%get3A_50, %get3A_51] : memref<128x2xf32, #tpu.memory_space<vmem>>, vector<128x2xf32>
    %dot_general3A_53 = arith.constant dense<0.000000e+00> : vector<2000x2xf32>
    %dot_general3A_54 = tpu.matmul %max3A_49, %get3A_52, %dot_general3A_53 {dimension_numbers = #tpu.dot_dimension_numbers<[1], [0], [0], [1], [0, 0, 1, 1], [], []>, transpose_lhs_hint = false} : vector<2000x128xf32>, vector<128x2xf32>, vector<2000x2xf32> -> vector<2000x2xf32>
    %get3A_55 = arith.constant 0 : index
    %get3A_56 = arith.constant 0 : index
    %get3A_57 = vector.load %arg8[%get3A_55, %get3A_56] : memref<1x2xf32, #tpu.memory_space<vmem>>, vector<1x2xf32>
    %add3A_58 = vector.broadcast %get3A_57 : vector<1x2xf32> to vector<2000x2xf32>
    %add3A_59 = arith.addf %dot_general3A_54, %add3A_58 : vector<2000x2xf32>
    %reduce_max3A = arith.constant dense<0xFF800000> : vector<2000xf32>
    %reduce_max3A_60 = vector.multi_reduction <maximumf>, %add3A_59, %reduce_max3A [1] : vector<2000x2xf32> to vector<2000xf32>
    %broadcast_in_dim3A_61 = vector.shape_cast %reduce_max3A_60 : vector<2000xf32> to vector<2000x1xf32>
    %sub3A = vector.broadcast %broadcast_in_dim3A_61 : vector<2000x1xf32> to vector<2000x2xf32>
    %sub3A_62 = arith.subf %add3A_59, %sub3A : vector<2000x2xf32>
    %exp3A = math.exp %sub3A_62 : vector<2000x2xf32>
    %reduce_sum3A = arith.constant dense<0.000000e+00> : vector<2000xf32>
    %reduce_sum3A_63 = vector.multi_reduction <add>, %exp3A, %reduce_sum3A [1] : vector<2000x2xf32> to vector<2000xf32>
    %broadcast_in_dim3A_64 = vector.shape_cast %reduce_sum3A_63 : vector<2000xf32> to vector<2000x1xf32>
    %div3A_65 = vector.broadcast %broadcast_in_dim3A_64 : vector<2000x1xf32> to vector<2000x2xf32>
    %div3A_66 = arith.divf %exp3A, %div3A_65 : vector<2000x2xf32>
    %swap3A = arith.constant 0 : index
    %swap3A_67 = arith.constant 0 : index
    %swap3A_68 = vector.load %arg9[%swap3A, %swap3A_67] : memref<2000x2xf32, #tpu.memory_space<vmem>>, vector<2000x2xf32>
    tpu.vector_store %arg9[%swap3A, %swap3A_67], %add3A_59 {strides = array<i32>} : memref<2000x2xf32, #tpu.memory_space<vmem>>, vector<2000x2xf32>,
    %swap3A_69 = arith.constant 0 : index
    %swap3A_70 = arith.constant 0 : index
    %swap3A_71 = vector.load %arg10[%swap3A_69, %swap3A_70] : memref<2000x2xf32, #tpu.memory_space<vmem>>, vector<2000x2xf32>
    tpu.vector_store %arg10[%swap3A_69, %swap3A_70], %div3A_66 {strides = array<i32>} : memref<2000x2xf32, #tpu.memory_space<vmem>>, vector<2000x2xf32>,
    return
  }
  func.func @transform_0(%arg0: i32) -> (i32, i32, i32) {
    %c0_i32 = arith.constant 0 : i32
    %c0_i32_0 = arith.constant 0 : i32
    %c0_i32_1 = arith.constant 0 : i32
    return %c0_i32, %arg0, %c0_i32_0 : i32, i32, i32
  }
  func.func @transform_1(%arg0: i32) -> (i32, i32) {
    %c0_i32 = arith.constant 0 : i32
    %c0_i32_0 = arith.constant 0 : i32
    return %arg0, %c0_i32 : i32, i32
  }
  func.func @transform_2(%arg0: i32) -> (i32, i32) {
    %c0_i32 = arith.constant 0 : i32
    %c0_i32_0 = arith.constant 0 : i32
    %c0_i32_1 = arith.constant 0 : i32
    return %c0_i32, %c0_i32_0 : i32, i32
  }
  func.func @transform_3(%arg0: i32) -> (i32, i32) {
    %c0_i32 = arith.constant 0 : i32
    %c0_i32_0 = arith.constant 0 : i32
    %c0_i32_1 = arith.constant 0 : i32
    return %c0_i32, %c0_i32_0 : i32, i32
  }
  func.func @transform_4(%arg0: i32) -> (i32, i32) {
    %c0_i32 = arith.constant 0 : i32
    %c0_i32_0 = arith.constant 0 : i32
    %c0_i32_1 = arith.constant 0 : i32
    return %c0_i32, %c0_i32_0 : i32, i32
  }
  func.func @transform_5(%arg0: i32) -> (i32, i32) {
    %c0_i32 = arith.constant 0 : i32
    %c0_i32_0 = arith.constant 0 : i32
    %c0_i32_1 = arith.constant 0 : i32
    return %c0_i32, %c0_i32_0 : i32, i32
  }
  func.func @transform_6(%arg0: i32) -> (i32, i32) {
    %c0_i32 = arith.constant 0 : i32
    %c0_i32_0 = arith.constant 0 : i32
    %c0_i32_1 = arith.constant 0 : i32
    return %c0_i32, %c0_i32_0 : i32, i32
  }
  func.func @transform_7(%arg0: i32) -> (i32, i32) {
    %c0_i32 = arith.constant 0 : i32
    %c0_i32_0 = arith.constant 0 : i32
    %c0_i32_1 = arith.constant 0 : i32
    return %c0_i32, %c0_i32_0 : i32, i32
  }
  func.func @transform_8(%arg0: i32) -> (i32, i32) {
    %c0_i32 = arith.constant 0 : i32
    %c0_i32_0 = arith.constant 0 : i32
    return %arg0, %c0_i32 : i32, i32
  }
  func.func @transform_9(%arg0: i32) -> (i32, i32) {
    %c0_i32 = arith.constant 0 : i32
    %c0_i32_0 = arith.constant 0 : i32
    return %arg0, %c0_i32 : i32, i32
  }
}

</mosaic_0001>

<sc_bundles>
// kernel: kernel.5.cloned.1.call-start
scs
__scs_entry_jumppad:
0x0: {  	(pc) =	sbr.rel $0x88, $3  }
0x1: {  	(tag) =	ssettag $0x0;
	lr =	simm.s32 $0x1  }
0x2: {  	[smem:$0x3F97] =	sst lr;
	_ =	strace $0xD0000000  }
0x3: {  	_ = 	snop  }
0x4: {  	_ = 	snop  }
0x5: {  	_ = 	snop  }
0x6: {  	_ = 	snop  }
0x7: {  	_ = 	snop  }
__scs_overlays_trampoline_lowered:
0x8: {  	[smem:$0x3FA6] =	sst s0  }
0x9: {  	[smem:$0x3FA7] =	sst s1  }
0xa: {  	[smem:$0x3FA8] =	sst s2  }
0xb: {  	[smem:$0x3FA9] =	sst s3  }
0xc: {  	[smem:$0x3FAA] =	sst s4  }
0xd: {  	[smem:$0x3FAB] =	sst s5  }
0xe: {  	[smem:$0x3FAC] =	sst s6  }
0xf: {  	[smem:$0x3FAD] =	sst s7  }
0x10: {  	[smem:$0x3FAE] =	sst s8  }
0x11: {  	[smem:$0x3FAF] =	sst s9;
	s0 =	simm.s32 @!p0 $0x0  }
0x12: {  	s1 =	sld [smem:$0x3F95];
	s0 =	simm.s32 @p0 $0x1  }
0x13: {  	[smem:$0x3FB0] =	sst s0;
	s0 =	simm.s32 @!p1 $0x0  }
0x14: {  	s2 =	sld [smem:$0x3F94];
	s0 =	simm.s32 @p1 $0x1  }
0x15: {  	[smem:$0x3FB1] =	sst s0;
	s0 =	simm.s32 @!p2 $0x0  }
0x16: {  	s3 =	sld [smem:$0x3FDB];
	s0 =	simm.s32 @p2 $0x1  }
0x17: {  	s4 =	simm.s32 $0x1BF5;
	[smem:$0x3FB3] =	sst s0  }
0x18: {  	s0 =	sld [smem:$0x3F96];
	_ =	swait.ge [sflag:s4], $0x0  }
0x19: {  	s7 =	sld [smem:$0x3F97]  }
0x1a: {  	s8 =	sadd.s32 $0xFFFFE003, lr  }
0x1b: {  	s9 =	sadd.s32 $0xFFFFFEF7, lr;
	s5 =	simm.s32 $0xFFFFFFFF;
	p2 =	slt.u32 s8, $0xFFFFF086  }
0x1c: {  	p1 =	slt.u32 s9, $0xF7A;
	s5 =	simm.s32 @!p2 $0x0  }
0x1d: {  	s5 =	simm.s32 @p1 $0x1;
	p0 =	seq.s32 s7, s2  }
0x1e: {  	s7 =	smul.u32 @!p0 $0xF7A, s2;
	p2 =	seq.s32 @!p0 s5, $0x0  }
0x1f: {  	s9 =	smul.u32 $0xF7A, s1;
	s8 =	simm.s32 @!p0 $0x1BF5;
	p2 =	por !p2, p0  }
0x20: {  	[sflag:s8] =	ssyncset.s32 @!p0 $0xFFFFF086;
	s6 =	sadd.s32 @!p0 s3, s7;
	s7 =	simm.s32 @!p0 $0x108  }
0x21: {  	s3 =	sadd.s32 s3, s9;
	s6 =	sadd.s32 @!p0 $0x88, s6;
	s7 =	simm.s32 @p2 $0x1082  }
0x22: {  	[simem:s7], [sflag:s8] =	dma.local @!p0 [hbm:s6], $0xF7A  }
0x23: {  	s9 =	sor.u32 $0xD0000000, s2;
	s6 =	simm.s32 $0x108;
	_ =	swait.ge @!p0 [sflag:s8], $0x0  }
0x24: {  	s3 =	sadd.s32 $0x88, s3;
	s6 =	simm.s32 @!p1 $0x1082;
	[sflag:s4] =	ssyncset.s32 $0xFFFFF086  }
0x25: {  	[simem:s6], [sflag:s4] =	dma.local [hbm:s3], $0xF7A  }
0x26: {  	[smem:$0x3F97] =	sst s1;
	(tag) =	ssettag s2;
	_ =	strace s9  }
0x27: {  	s1 =	sld [smem:$0x3FA7]  }
0x28: {  	s2 =	sld [smem:$0x3FA8]  }
0x29: {  	s4 =	sld [smem:$0x3FAA]  }
0x2a: {  	p0 =	seq.s32 s5, $0x0;
	s5 =	sld [smem:$0x3FAB]  }
0x2b: {  	s6 =	sld [smem:$0x3FAC]  }
0x2c: {  	s7 =	sld [smem:$0x3FAD]  }
0x2d: {  	s3 =	simm.s32 $0x108;
	s8 =	sld [smem:$0x3FAE]  }
0x2e: {  	s3 =	simm.s32 @!p0 $0x1082;
	s9 =	sld [smem:$0x3FAF]  }
0x2f: {  	lr =	sadd.s32 s0, s3;
	s0 =	sld [smem:$0x3FA6]  }
0x30: {  	s3 =	sld [smem:$0x3FA9]  }
0x31: {  	[smem:$0x3FB2] =	sst s10  }
0x32: {  	s10 =	sld [smem:$0x3FB0];
	_ =	sdelay $0x3  }
0x33: {  	p0 =	seq.s32 s10, $0x1;
	s10 =	sld [smem:$0x3FB2];
	_ =	sdelay $0x3  }
0x34: {  	[smem:$0x3FB2] =	sst s10  }
0x35: {  	s10 =	sld [smem:$0x3FB1];
	_ =	sdelay $0x3  }
0x36: {  	p1 =	seq.s32 s10, $0x1;
	s10 =	sld [smem:$0x3FB2];
	_ =	sdelay $0x3  }
0x37: {  	[smem:$0x3FB2] =	sst s10  }
0x38: {  	s10 =	sld [smem:$0x3FB3]  }
0x39: {  	_ = 	snop;
	(pc) =	sbr.ind lr, $3  }
0x3a: {  	_ = 	snop  }
0x3b: {  	_ = 	snop  }
0x3c: {  	p2 =	seq.s32 s10, $0x1;
	s10 =	sld [smem:$0x3FB2]  }
0x3d: {  	_ =	shalt  }
0x3e: {  	_ =	shalt  }
0x3f: {  	_ =	shalt  }
0x40: {  	_ =	shalt  }
0x41: {  	_ =	shalt  }
0x42: {  	_ =	shalt  }
0x43: {  	_ =	shalt  }
0x44: {  	_ =	shalt  }
0x45: {  	_ =	shalt  }
0x46: {  	_ =	shalt  }
0x47: {  	_ =	shalt  }
0x48: {  	_ =	shalt  }
0x49: {  	_ =	shalt  }
0x4a: {  	_ =	shalt  }
0x4b: {  	_ =	shalt  }
0x4c: {  	_ =	shalt  }
0x4d: {  	_ =	shalt  }
0x4e: {  	_ =	shalt  }
0x4f: {  	_ =	shalt  }
0x50: {  	_ =	shalt  }
0x51: {  	_ =	shalt  }
0x52: {  	_ =	shalt  }
0x53: {  	_ =	shalt  }
0x54: {  	_ =	shalt  }
0x55: {  	_ =	shalt  }
0x56: {  	_ =	shalt  }
0x57: {  	_ =	shalt  }
0x58: {  	_ =	shalt  }
0x59: {  	_ =	shalt  }
0x5a: {  	_ =	shalt  }
0x5b: {  	_ =	shalt  }
0x5c: {  	_ =	shalt  }
0x5d: {  	_ =	shalt  }
0x5e: {  	_ =	shalt  }
0x5f: {  	_ =	shalt  }
0x60: {  	_ =	shalt  }
0x61: {  	_ =	shalt  }
0x62: {  	_ =	shalt  }
0x63: {  	_ =	shalt  }
0x64: {  	_ =	shalt  }
0x65: {  	_ =	shalt  }
0x66: {  	_ =	shalt  }
0x67: {  	_ =	shalt  }
0x68: {  	_ =	shalt  }
0x69: {  	_ =	shalt  }
0x6a: {  	_ =	shalt  }
0x6b: {  	_ =	shalt  }
0x6c: {  	_ =	shalt  }
0x6d: {  	_ =	shalt  }
0x6e: {  	_ =	shalt  }
0x6f: {  	_ =	shalt  }
0x70: {  	_ =	shalt  }
0x71: {  	_ =	shalt  }
0x72: {  	_ =	shalt  }
0x73: {  	_ =	shalt  }
0x74: {  	_ =	shalt  }
0x75: {  	_ =	shalt  }
0x76: {  	_ =	shalt  }
0x77: {  	_ =	shalt  }
0x78: {  	_ =	shalt  }
0x79: {  	_ =	shalt  }
0x7a: {  	_ =	shalt  }
0x7b: {  	_ =	shalt  }
0x7c: {  	_ =	shalt  }
0x7d: {  	_ =	shalt  }
0x7e: {  	_ =	shalt  }
0x7f: {  	_ =	shalt  }
0x80: {  	_ =	shalt  }
0x81: {  	_ =	shalt  }
0x82: {  	_ =	shalt  }
0x83: {  	_ =	shalt  }
0x84: {  	_ =	shalt  }
0x85: {  	_ =	shalt  }
0x86: {  	_ =	shalt  }
0x87: {  	_ =	shalt  }
.Lfunc_end0:
.L_simem_size_0:
called_computation_lowered:
.L_overlay_start_0:
0x88: {  	s2 =	sld [smem:$0x3FD9]  }
0x89: {  	s3 =	sld [smem:$0x3FFE];
	_ =	sdelay $0x1  }
0x8a: {  	s1 =	srdreg.scid  }
0x8b: {  	s0 =	sand.u32 $0x1, s1  }
0x8c: {  	s14 =	sshll.u32 s0, $0xA;
	s2 =	sadd.s32 s3, s2  }
0x8d: {  	s2 =	sadd.s32 s2, s14  }
0x8e: {  	[smem:$0x3FBE] =	sst s2  }
0x8f: {  	_ = 	snop  }
0x90: {  	s2 =	sld [smem:$0x3FD0];
	_ =	sdelay $0x2  }
0x91: {  	s4 =	simm.s32 $0xA;
	s5 =	simm.s32 $0x10;
	s15 =	sld [smem:$0x3FC8]  }
0x92: {  	[smem:s5], [sflag:s4] =	dma.local [hbm:s2], $0x1  }
0x93: {  	_ =	swait.eq [sflag:s4], $0x1  }
0x94: {  	[sflag:s4] =	ssyncset.done $0x0  }
0x95: {  	[sflag:s4] =	ssyncadd.s32 $0xFFFFFFFF  }
0x96: {  	s16 =	sld [smem:$0x11];
	(tm) =	ssettm $0x1  }
0x97: {  	s17 =	sld [smem:$0x3FFB];
	_ =	sdelay $0x3  }
0x98: {  	_ =	strace s17  }
0x99: {  	s4 =	sld [smem:$0x3FFC];
	_ =	sdelay $0x3  }
0x9a: {  	_ =	strace s4  }
0x9b: {  	s4 =	sld [smem:$0x3FFD];
	_ =	sdelay $0x3  }
0x9c: {  	_ =	strace s4  }
0x9d: {  	_ =	strace $0x8FFFFFFF  }
0x9e: {  	s18 =	sld [smem:$0x3FDB];
	_ =	sdelay $0x1  }
0x9f: {  	s19 =	simm.s32 $_scs_section_size  }
0xa0: {  	s6 =	simm.s32 $_size__tile_overlayer_lowered;
	s7 =	simm.s32 $_tile_overlayer_lowered  }
0xa1: {  	s22 =	simm.s32 $0x1BFF;
	s21 =	sshll.u32 s7, $0x1;
	s4 =	sadd.s32 s19, s18  }
0xa2: {  	s8 =	simm.s32 $0x0;
	s20 =	sshll.u32 s6, $0x1;
	s6 =	sadd.s32 s21, s4  }
0xa3: {  	[timem:s8], [sflag:s22] =	dma.local [hbm:s6], s20  }
0xa4: {  	_ =	swait.ge [sflag:s22], s20  }
0xa5: {  	s5 =	ssub.s32 $0x0, s20;
	[sflag:s22] =	ssyncset.done $0x0  }
0xa6: {  	[sflag:s22] =	ssyncadd.s32 s5;
	_ =	sdelay $0x1  }
0xa7: {  	s23 =	simm.s32 $0x1B8B  }
0xa8: {  	_ =	swait.ge [sflag:s23], $0x1  }
0xa9: {  	[sflag:s23] =	ssyncset.done $0x0  }
0xaa: {  	s25 =	simm.s32 $0x1B8E;
	s24 =	sld [smem:$0x3FFE];
	[sflag:s23] =	ssyncadd.s32 $0xFFFFFFFF  }
0xab: {  	s26 =	simm.s32 $execute0_lowered;
	[smem:$0x3FD2] =	sst s25  }
0xac: {  	s6 =	sshll.u32 s26, $0x1;
	_ =	strace $0x80000046;
	[dreg:$0x1] =	wrdreg $0xFFFFFFFF  }
0xad: {  	s28 =	simm.s32 $_size_execute0_lowered;
	s4 =	sadd.s32 s4, s6;
	[dreg:$0x0] =	wrdreg $0x0  }
0xae: {  	s6 =	sshll.u32 s28, $0x1;
	[dreg:$0x2] =	wrdreg s4  }
0xaf: {  	[dreg:$0x3] =	wrdreg s6  }
0xb0: {  	[dreg:$0x4] =	wrdreg $0xC0  }
0xb1: {  	_ =	task [dreg:s8], $0x5FFFF  }
0xb2: {  	[dreg:$0x1] =	wrdreg $0xFFFFFFFF  }
0xb3: {  	[dreg:$0x0] =	wrdreg $0x60  }
0xb4: {  	[dreg:$0x2] =	wrdreg s24  }
0xb5: {  	[dreg:$0x3] =	wrdreg s15  }
0xb6: {  	[dreg:$0x4] =	wrdreg s16  }
0xb7: {  	[dreg:$0x5] =	wrdreg $0xC3000  }
0xb8: {  	[dreg:$0x6] =	wrdreg $0x1FB800  }
0xb9: {  	[dreg:$0x7] =	wrdreg $0x9  }
0xba: {  	_ =	task.clear_ibuf [dreg:s8], $0x8FFFF;
	_ =	strace $0x90000046  }
0xbb: {  	s29 =	simm.s32 $0x9;
	_ =	strace $0x80000048  }
0xbc: {  	_ =	swait.ge [sflag:s29], $0x1  }
0xbd: {  	[sflag:s29] =	ssyncadd.s32 $0xFFFFFFFF  }
0xbe: {  	_ =	strace $0x90000048  }
0xbf: {  	_ =	sfence  }
0xc0: {  	s30 =	sld [smem:$0x0];
	_ =	sdelay $0x2  }
0xc1: {  	s31 =	sshll.u32 s1, $0xD;
	s1 =	sshrl.u32 s1, $0x2  }
0xc2: {  	s3 =	sand.u32 $0x4000, s31;
	s1 =	sadd.s32 s1, s30  }
0xc3: {  	s0 =	sor.u32 s3, s0;
	s1 =	sshll.u32 s1, $0x11  }
0xc4: {  	s0 =	sor.u32 s1, s0  }
0xc5: {  	s0 =	sadd.s32 $0x8F2B, s0  }
0xc6: {  	[sflag:s0] =	ssyncadd.remote.s32 $0x1  }
0xc7: {  	_ =	sfence.sel $0xFFFF  }
0xc8: {  	[dreg:$0x0] =	wrdreg $0xFFFFFFFF;
	(pc) =	sbr.abs _section_cstart, $3  }
0xc9: {  	[dreg:$0x1] =	wrdreg $0xFFFFFFFF  }
0xca: {  	_ =	task.clear_ibuf [dreg:s8], $0x2FFFF;
	_ =	strace $0x9FFFFFFF  }
0xcb: {  	(tm) =	ssettm $0x7FFFFFFF  }
tec
execute0_lowered:
.L_overlay_start_1:
0x0: {  	(tag) =	ssettag $0x1  }
0x1: {  	s0 =	rddreg [dreg:$0x0]  }
0x2: {  	s2 =	rddreg [dreg:$0x1]  }
0x3: {  	s3 =	rddreg [dreg:$0x3]  }
0x4: {  	s1 =	srdreg.scid;
	s24 =	stileid.u32  }
0x5: {  	s4 =	rddreg [dreg:$0x4];
	s6 =	smul.u32 $0x3E800, s24  }
0x6: {  	s5 =	simm.s32 $0x0;
	s11 =	sand.u32 $0x1, s1;
	s7 =	smul.u32 $0x3E8, s24  }
0x7: {  	[smem:$0x7FF] =	sst s5;
	s1 =	smul.u32 $0x138800, s11  }
0x8: {  	s18 =	sshll.u32 s24, $0x1;
	s12 =	sadd.s32 $0x4E6200, s0;
	s14 =	smul.u32 $0x2710, s11  }
0x9: {  	s9 =	ssub.s32 $0x2, s11;
	s10 =	sor.u32 s11, s18;
	s11 =	smul.u32 $0x4E, s11  }
0xa: {  	p0 =	slt.u32 s24, $0x2;
	_ =	strace $0x80000047;
	s13 =	smul.u32 $0x4E, s10  }
0xb: {  	s19 =	sshrl.u32 s9, $0x1;
	s15 =	smin.u32 s10, $0x4;
	s10 =	sadd.s32 $0x100, s7  }
0xc: {  	s18 =	sadd.s32 $0x200, s7;
	s8 =	sadd.s32 s6, s1;
	s6 =	simm.s32 $0x4F  }
0xd: {  	s1 =	ssub.s32 s9, s19;
	s22 =	sadd.s32 s7, s14;
	s9 =	sadd.s32 $0x80, s7  }
0xe: {  	s25 =	sadd.s32 s14, s10;
	s19 =	sadd.s32 s14, s18;
	s6 =	simm.s32 @!p0 $0x4E  }
0xf: {  	s16 =	sshrl.u32 s22, $0x3;
	s17 =	sadd.s32 s14, s9;
	s26 =	sshrl.u32 s25, $0x3  }
0x10: {  	s29 =	sshrl.u32 s19, $0x3;
	s19 =	sadd.s32 $0x300, s7;
	s22 =	smul.u32 $0x9C, s24  }
0x11: {  	s25 =	sadd.s32 s15, s13;
	s8 =	sshrl.u32 s8, $0x3;
	s1 =	smax.u32 s1, $0x1  }
0x12: {  	p0 =	sne.s32 s24, $0xF;
	s20 =	sadd.s32 $0xFFFFFFFF, s6;
	s21 =	sadd.s32 $0xFFFFFFFE, s6  }
0x13: {  	s16 =	sadd.s32 s12, s16;
	s23 =	sshrl.u32 s17, $0x3;
	[smem:$0x7F1] =	sst s1  }
0x14: {  	s17 =	sadd.s32 $0x180, s7;
	s13 =	sshll.u32 s25, $0x4;
	[dreg:$0x6] =	wrdreg s20  }
0x15: {  	s8 =	sadd.s32 s8, s0;
	p2 =	sgt.u32 @p0 s24, $0x9;
	[dreg:$0x7] =	wrdreg s21  }
0x16: {  	[dreg:$0x8] =	wrdreg s16;
	s16 =	sadd.s32 s12, s23;
	s28 =	sadd.s32 s14, s17  }
0x17: {  	s20 =	sadd.s32 $0x280, s7;
	s21 =	sadd.s32 s14, s19;
	s23 =	sadd.s32 $0x380, s7  }
0x18: {  	s11 =	sadd.s32 s11, s22;
	s13 =	sadd.s32 s2, s13;
	s8 =	sadd.s32 $0x4E6C00, s8  }
0x19: {  	s7 =	sadd.s32 s7, s4;
	p1 =	por p2, !p0;
	[dreg:$0x9] =	wrdreg s16  }
0x1a: {  	p2 =	por !p2, !p0;
	s16 =	sadd.s32 s12, s26;
	[dreg:$0x10] =	wrdreg s13  }
0x1b: {  	s30 =	sadd.s32 s14, s20;
	s21 =	sshrl.u32 s21, $0x3;
	[dreg:$0x17] =	wrdreg s8  }
0x1c: {  	s14 =	sadd.s32 s14, s23;
	s11 =	sadd.s32 s15, s11;
	[dreg:$0x18] =	wrdreg s7  }
0x1d: {  	s26 =	sshll.u32 s25, $0x7;
	s1 =	simm.s32 @!p2 $0x0;
	[dreg:$0xa] =	wrdreg s16  }
0x1e: {  	s16 =	sshrl.u32 s28, $0x3;
	s31 =	sshrl.u32 s30, $0x3;
	s21 =	sadd.s32 s12, s21  }
0x1f: {  	s14 =	sshrl.u32 s14, $0x3;
	s28 =	sadd.s32 $0x80, s26;
	s1 =	simm.s32 @p2 $0x1  }
0x20: {  	p2 =	sgt.u32 s24, $0x4;
	s16 =	sadd.s32 s12, s16;
	[dreg:$0xe] =	wrdreg s21  }
0x21: {  	s13 =	sshll.u32 s28, $0x4;
	s21 =	sadd.s32 $0x1A00, s0;
	[smem:$0x7F3] =	sst s1  }
0x22: {  	[dreg:$0xb] =	wrdreg s16;
	s16 =	sadd.s32 s12, s29;
	s29 =	sshrl.u32 s28, $0x3  }
0x23: {  	s22 =	sadd.s32 s21, s13;
	[dreg:$0xc] =	wrdreg s16;
	s16 =	sadd.s32 s12, s31  }
0x24: {  	s12 =	sadd.s32 s12, s14;
	s14 =	sadd.s32 $0x100, s26;
	s31 =	sshll.u32 s11, $0x4  }
0x25: {  	s15 =	sadd.s32 s2, s29;
	[dreg:$0x14] =	wrdreg s22;
	s26 =	smul.u32 $0x50000, s24  }
0x26: {  	s11 =	sshll.u32 s11, $0xB;
	s29 =	smul.u32 $0xFA0, s24;
	[dreg:$0xd] =	wrdreg s16  }
0x27: {  	s22 =	sadd.s32 s23, s4;
	[dreg:$0xf] =	wrdreg s12;
	s30 =	sshrl.u32 s14, $0x3  }
0x28: {  	[dreg:$0x11] =	wrdreg s15;
	s12 =	sshll.u32 s25, $0xB;
	s25 =	sshll.u32 s14, $0x4  }
0x29: {  	s28 =	sadd.s32 s11, s21;
	[dreg:$0x1f] =	wrdreg s22;
	s16 =	sadd.s32 s2, s30  }
0x2a: {  	s2 =	sadd.s32 s31, s2;
	s12 =	sadd.s32 s21, s12;
	[dreg:$0x12] =	wrdreg s16  }
0x2b: {  	s11 =	sshrl.u32 s29, $0x2;
	[dreg:$0x13] =	wrdreg s12;
	s12 =	sadd.s32 s21, s25  }
0x2c: {  	s15 =	sadd.s32 s11, s4;
	s11 =	sadd.s32 s9, s4;
	[dreg:$0x15] =	wrdreg s12  }
0x2d: {  	s30 =	smul.u32 $0xFA000, s24;
	s16 =	sadd.s32 s17, s4;
	[dreg:$0x19] =	wrdreg s11  }
0x2e: {  	s21 =	sadd.s32 $0x4E3A00, s0;
	s17 =	sadd.s32 s18, s4;
	[dreg:$0x1b] =	wrdreg s16  }
0x2f: {  	s18 =	sadd.s32 s20, s4;
	s20 =	sadd.s32 s19, s4;
	[dreg:$0x1c] =	wrdreg s17  }
0x30: {  	s7 =	sadd.s32 $0x30, s2;
	s8 =	sadd.s32 $0x20, s2;
	[dreg:$0x1d] =	wrdreg s18  }
0x31: {  	s9 =	sadd.s32 $0x10, s2;
	s19 =	simm.s32 $0x0;
	[dreg:$0x1e] =	wrdreg s20  }
0x32: {  	s12 =	sshrl.u32 s26, $0x2;
	s23 =	sadd.s32 $0x80, s15;
	[dreg:$0x16] =	wrdreg s15  }
0x33: {  	s31 =	sshrl.u32 s30, $0x2;
	s25 =	sadd.s32 $0x100, s15;
	[smem:$0x7F7] =	sst s23  }
0x34: {  	s11 =	sadd.s32 $0x1000, s28;
	s26 =	sadd.s32 $0x180, s15;
	[smem:$0x7F8] =	sst s25  }
0x35: {  	s29 =	sadd.s32 $0x280, s15;
	s30 =	sadd.s32 $0x300, s15;
	[smem:$0x7F9] =	sst s26  }
0x36: {  	s0 =	sadd.s32 s12, s3;
	s14 =	sadd.s32 s31, s3;
	[smem:$0x7FB] =	sst s29  }
0x37: {  	s12 =	sadd.s32 s10, s4;
	s10 =	sadd.s32 $0x1800, s28;
	[smem:$0x7FC] =	sst s30  }
0x38: {  	s31 =	sadd.s32 $0x380, s15;
	[dreg:$0x1a] =	wrdreg s12;
	s0 =	sshrl.u32 @p0 s0, $0x3  }
0x39: {  	s12 =	sadd.s32 $0x800, s28;
	[smem:$0x7F2] =	sst s0;
	s0 =	sadd.s32 $0x12C000, s3  }
.Ltmp0:
0x3a: {  	[smem:$0x7FD] =	sst s31;
	s0 =	sshrl.u32 @!p0 s0, $0x3;
	(pc) =	sbr.rel .LBB2_1-.Ltmp0, $4  }
0x3b: {  	s28 =	sadd.s32 $0x200, s15;
	[smem:$0x7F4] =	sst s0;
	s0 =	simm.s32 @!p2 $0x0  }
0x3c: {  	s16 =	simm.s32 $0x8;
	[smem:$0x7FA] =	sst s28;
	s0 =	simm.s32 @p2 $0x1  }
0x3d: {  	s17 =	simm.s32 $0xC280;
	[smem:$0x7F5] =	sst s0;
	s0 =	sshrl.u32 @!p2 s14, $0x3  }
0x3e: {  	v0 =	vimm.f32 $1.000000000e+00;
	s18 =	simm.s32 $0x9;
	s15 =	simm.s32 $0x7;
	[smem:$0x7F6] =	sst s0  }
.LBB2_5:
0x3f: {  	s0 =	sld [smem:$0x7F1];
	_ =	sdelay $0x1  }
0x40: {  	s19 =	sadd.s32 $0x1, s19  }
0x41: {  	p2 =	sne.s32 s19, s0  }
.Ltmp1:
0x42: {  	_ = 	snop;
	(pc) =	sbr.rel @!p2 .LBB2_6-.Ltmp1, $1  }
0x43: {  	_ =	sdelay $0x3  }
.LBB2_1:
0x44: {  	[tilespmem:$0xC200] =	vst v0  }
0x45: {  	[tilespmem:$0xC210] =	vst v0  }
0x46: {  	[tilespmem:$0xC220] =	vst v0  }
0x47: {  	[tilespmem:$0xC230] =	vst v0  }
0x48: {  	[tilespmem:$0xC240] =	vst v0  }
0x49: {  	[tilespmem:$0xC250] =	vst v0;
	s1 =	sld [smem:$0x7F2]  }
0x4a: {  	[tilespmem:$0xC260] =	vst v0;
	s0 =	sshll.u32 @p0 s24, $0x6  }
0x4b: {  	[tilespmem:$0xC270] =	vst v0;
	s0 =	sor.u32 @p0 $0x1C09, s0  }
0x4c: {  	[spmem:s1], [sflag:s0] =	dma.local @p0 [hbm:s21], $0x2800  }
0x4d: {  	s0 =	simm.s32 @p0 $0x9  }
0x4e: {  	_ =	swait.ge @p0 [sflag:s0], $0x2800  }
0x4f: {  	[sflag:s0] =	ssyncset.done @p0 $0x0  }
0x50: {  	[sflag:s0] =	ssyncadd.s32 @p0 $0xFFFFD800  }
0x51: {  	s2 =	simm.s32 @!p1 $0xC280;
	s0 =	simm.s32 @!p1 $0x0;
	s1 =	rddreg [dreg:$0x2]  }
0x52: {  	[tilespmem:s2], [sflag:$0x9] =	stream.linear.gather @!p1 [hbm4b:s1+s0], $0x80, $0x38;
	[tilespmem:$0x1FDF8] =	vst v63  }
0x53: {  	s0 =	simm.s32 @!p1 $0x9  }
0x54: {  	_ =	swait.ge @!p1 [sflag:s0], $0x80  }
0x55: {  	[sflag:s0] =	ssyncset.done @!p1 $0x0  }
0x56: {  	s1 =	rddreg [dreg:$0x16];
	[sflag:s0] =	ssyncadd.s32 @!p1 $0xFFFFFF80  }
0x57: {  	[spmem:s1] =	stream.linear.scatter @!p1 [tilespmem:s2], [sflag:$0x9], $0x80, $0x38;
	[tilespmem:$0x1FDF8] =	vst v63  }
0x58: {  	_ =	swait.ge @!p1 [sflag:s0], $0x80  }
0x59: {  	s1 =	sld [smem:$0x7F7]  }
0x5a: {  	[sflag:s0] =	ssyncset.done @!p1 $0x0  }
0x5b: {  	[sflag:s0] =	ssyncadd.s32 @!p1 $0xFFFFFF80  }
0x5c: {  	[spmem:s1] =	stream.linear.scatter @!p1 [tilespmem:s2], [sflag:$0x9], $0x80, $0x38;
	[tilespmem:$0x1FDF8] =	vst v63  }
0x5d: {  	_ =	swait.ge @!p1 [sflag:s0], $0x80  }
0x5e: {  	s1 =	sld [smem:$0x7F8]  }
0x5f: {  	[sflag:s0] =	ssyncset.done @!p1 $0x0  }
0x60: {  	[sflag:s0] =	ssyncadd.s32 @!p1 $0xFFFFFF80  }
0x61: {  	[spmem:s1] =	stream.linear.scatter @!p1 [tilespmem:s2], [sflag:$0x9], $0x80, $0x38;
	[tilespmem:$0x1FDF8] =	vst v63  }
0x62: {  	_ =	swait.ge @!p1 [sflag:s0], $0x80  }
0x63: {  	s1 =	sld [smem:$0x7F9]  }
0x64: {  	[sflag:s0] =	ssyncset.done @!p1 $0x0  }
0x65: {  	[sflag:s0] =	ssyncadd.s32 @!p1 $0xFFFFFF80  }
0x66: {  	[spmem:s1] =	stream.linear.scatter @!p1 [tilespmem:s2], [sflag:$0x9], $0x80, $0x38;
	[tilespmem:$0x1FDF8] =	vst v63  }
0x67: {  	_ =	swait.ge @!p1 [sflag:s0], $0x80  }
0x68: {  	s1 =	sld [smem:$0x7FA]  }
0x69: {  	[sflag:s0] =	ssyncset.done @!p1 $0x0  }
0x6a: {  	[sflag:s0] =	ssyncadd.s32 @!p1 $0xFFFFFF80  }
0x6b: {  	[spmem:s1] =	stream.linear.scatter @!p1 [tilespmem:s2], [sflag:$0x9], $0x80, $0x38;
	[tilespmem:$0x1FDF8] =	vst v63  }
0x6c: {  	_ =	swait.ge @!p1 [sflag:s0], $0x80  }
0x6d: {  	s1 =	sld [smem:$0x7FB]  }
0x6e: {  	[sflag:s0] =	ssyncset.done @!p1 $0x0  }
0x6f: {  	[sflag:s0] =	ssyncadd.s32 @!p1 $0xFFFFFF80  }
0x70: {  	[spmem:s1] =	stream.linear.scatter @!p1 [tilespmem:s2], [sflag:$0x9], $0x80, $0x38;
	[tilespmem:$0x1FDF8] =	vst v63  }
0x71: {  	_ =	swait.ge @!p1 [sflag:s0], $0x80  }
0x72: {  	s1 =	sld [smem:$0x7FC]  }
0x73: {  	[sflag:s0] =	ssyncset.done @!p1 $0x0  }
0x74: {  	[sflag:s0] =	ssyncadd.s32 @!p1 $0xFFFFFF80  }
0x75: {  	[spmem:s1] =	stream.linear.scatter @!p1 [tilespmem:s2], [sflag:$0x9], $0x80, $0x38;
	[tilespmem:$0x1FDF8] =	vst v63  }
0x76: {  	_ =	swait.ge @!p1 [sflag:s0], $0x80  }
0x77: {  	s1 =	sld [smem:$0x7FD]  }
0x78: {  	[sflag:s0] =	ssyncset.done @!p1 $0x0  }
0x79: {  	[sflag:s0] =	ssyncadd.s32 @!p1 $0xFFFFFF80  }
0x7a: {  	[spmem:s1] =	stream.linear.scatter @!p1 [tilespmem:s2], [sflag:$0x9], $0x68, $0x38;
	[tilespmem:$0x1FDF8] =	vst v63  }
0x7b: {  	_ =	swait.ge @!p1 [sflag:s0], $0x68  }
0x7c: {  	s1 =	sld [smem:$0x7F4]  }
0x7d: {  	[sflag:s0] =	ssyncset.done @!p1 $0x0  }
0x7e: {  	[sflag:s0] =	ssyncadd.s32 @!p1 $0xFFFFFF98;
	s0 =	simm.s32 @!p0 $0x1FC9  }
0x7f: {  	[spmem:s1], [sflag:s0] =	dma.local @!p0 [hbm:s21], $0x1900  }
0x80: {  	s0 =	simm.s32 @!p0 $0x9  }
0x81: {  	_ =	swait.ge @!p0 [sflag:s0], $0x1900  }
0x82: {  	[sflag:s0] =	ssyncset.done @!p0 $0x0  }
0x83: {  	[sflag:s0] =	ssyncadd.s32 @!p0 $0xFFFFE700  }
0x84: {  	[bflag:$0x0] =	sbarrier.arrive $0xFFFF  }
0x85: {  	s26 =	rddreg [dreg:$0x13]  }
0x86: {  	[tilespmem:s5], [sflag:$0x1] =	stream.linear.gather [hbm4b:s26+s5], $0x4000, $0x38;
	[tilespmem:$0x1FDF8] =	vst v63  }
0x87: {  	s31 =	simm.s32 $0xC000;
	s28 =	rddreg [dreg:$0x10]  }
0x88: {  	[tilespmem:s31], [sflag:$0x4] =	stream.linear.gather [hbm4b:s28+s5], $0x80, $0x38;
	[tilespmem:$0x1FDF8] =	vst v63  }
0x89: {  	s13 =	simm.s32 $0x4000;
	p2 =	sle.u32 s6, $0x0;
	s2 =	rddreg [dreg:$0x14]  }
0x8a: {  	[tilespmem:s13], [sflag:$0x2] =	stream.linear.gather [hbm4b:s2+s5], $0x4000, $0x38;
	[tilespmem:$0x1FDF8] =	vst v63  }
0x8b: {  	s20 =	simm.s32 $0xC080;
	p3 =	por @!p2 $0x1, $0x1;
	s14 =	rddreg [dreg:$0x11]  }
0x8c: {  	[tilespmem:s20], [sflag:$0x5] =	stream.linear.gather [hbm4b:s14+s5], $0x80, $0x38;
	[tilespmem:$0x1FDF8] =	vst v63  }
0x8d: {  	s23 =	simm.s32 $0x8000;
	p4 =	por p3, p2;
	s22 =	rddreg [dreg:$0x15]  }
0x8e: {  	[tilespmem:s23], [sflag:$0x3] =	stream.linear.gather [hbm4b:s22+s5], $0x4000, $0x38;
	[tilespmem:$0x1FDF8] =	vst v63  }
0x8f: {  	s25 =	simm.s32 $0xC100;
	s0 =	simm.s32 @!p4 $0x7;
	s24 =	rddreg [dreg:$0x12]  }
0x90: {  	[tilespmem:s25], [sflag:$0x6] =	stream.linear.gather [hbm4b:s24+s5], $0x80, $0x38;
	[tilespmem:$0x1FDF8] =	vst v63  }
0x91: {  	_ =	swait.ge @!p4 [sflag:s0], $0x4000  }
0x92: {  	[sflag:s0] =	ssyncset.done @!p4 $0x0  }
0x93: {  	p5 =	sle.u32 @!p4 s6, $0x1;
	[sflag:s0] =	ssyncadd.s32 @!p4 $0xFFFFC000;
	s0 =	simm.s32 @!p4 $0x8  }
0x94: {  	p3 =	por @!p2 p5, p3;
	_ =	swait.ge @!p4 [sflag:s0], $0x80  }
0x95: {  	p3 =	por p3, p2;
	[sflag:s0] =	ssyncset.done @!p4 $0x0  }
0x96: {  	s2 =	simm.s32 @!p3 $0x4000;
	[sflag:s0] =	ssyncadd.s32 @!p4 $0xFFFFFF80;
	s0 =	simm.s32 @!p3 $0x0  }
0x97: {  	[tilespmem:s2], [sflag:$0x2] =	stream.linear.gather @!p3 [hbm4b:s12+s0], $0x4000, $0x38;
	[tilespmem:$0x1FDF8] =	vst v63  }
0x98: {  	s13 =	simm.s32 @!p2 $0x1;
	s2 =	simm.s32 @!p3 $0xC080  }
0x99: {  	[tilespmem:s2], [sflag:$0x5] =	stream.linear.gather @!p3 [hbm4b:s9+s0], $0x80, $0x38;
	[tilespmem:$0x1FDF8] =	vst v63  }
0x9a: {  	_ =	swait.ge @!p2 [sflag:s13], $0x4000  }
0x9b: {  	[sflag:s13] =	ssyncset.done @!p2 $0x0  }
0x9c: {  	s0 =	simm.s32 @!p2 $0x4;
	[sflag:s13] =	ssyncadd.s32 @!p2 $0xFFFFC000  }
0x9d: {  	s14 =	simm.s32 @!p2 $0xC000;
	_ =	swait.ge @!p2 [sflag:s0], $0x80  }
0x9e: {  	s2 =	simm.s32 @!p2 $0x0;
	[sflag:s0] =	ssyncset.done @!p2 $0x0;
	s26 =	rddreg [dreg:$0x6]  }
0x9f: {  	[sflag:s0] =	ssyncadd.s32 @!p2 $0xFFFFFF80;
	s0 =	simm.s32 @!p2 $0x80;
	p3 =	sle.u32 s26, $0x0  }
0xa0: {  	[spmem:s3] =	stream.indirect.scatter.add.f32 @!p2 [tilespmem:s2], [sflag:$0x7], $0x80, s14, s0, $0xb8;
	[tilespmem:$0x1FDF8] =	vst v63  }
0xa1: {  	p4 =	por @!p3 $0x1, $0x1  }
0xa2: {  	p5 =	por p4, p3  }
0xa3: {  	s2 =	simm.s32 @!p2 $0xC200;
	s13 =	simm.s32 @!p5 $0x7  }
0xa4: {  	[spmem:s4] =	stream.indirect.scatter.add.f32 @!p2 [tilespmem:s2], [sflag:$0x8], $0x1, s14, s0, $0xb8;
	[tilespmem:$0x1FDF8] =	vst v63  }
0xa5: {  	_ =	swait.ge @!p5 [sflag:s13], $0x4000  }
0xa6: {  	[sflag:s13] =	ssyncset.done @!p5 $0x0  }
0xa7: {  	p2 =	sle.u32 @!p5 s6, $0x2;
	s0 =	simm.s32 @!p5 $0x8;
	[sflag:s13] =	ssyncadd.s32 @!p5 $0xFFFFC000  }
0xa8: {  	p2 =	por @!p3 p2, p4;
	_ =	swait.ge @!p5 [sflag:s0], $0x80  }
0xa9: {  	p2 =	por p2, p3;
	[sflag:s0] =	ssyncset.done @!p5 $0x0  }
0xaa: {  	s2 =	simm.s32 @!p2 $0x8000;
	[sflag:s0] =	ssyncadd.s32 @!p5 $0xFFFFFF80;
	s0 =	simm.s32 @!p2 $0x0  }
0xab: {  	[tilespmem:s2], [sflag:$0x3] =	stream.linear.gather @!p2 [hbm4b:s11+s0], $0x4000, $0x38;
	[tilespmem:$0x1FDF8] =	vst v63  }
0xac: {  	s13 =	simm.s32 @!p3 $0x2;
	s2 =	simm.s32 @!p2 $0xC100  }
0xad: {  	[tilespmem:s2], [sflag:$0x6] =	stream.linear.gather @!p2 [hbm4b:s8+s0], $0x80, $0x38;
	[tilespmem:$0x1FDF8] =	vst v63  }
0xae: {  	_ =	swait.ge @!p3 [sflag:s13], $0x4000  }
0xaf: {  	[sflag:s13] =	ssyncset.done @!p3 $0x0  }
0xb0: {  	s0 =	simm.s32 @!p3 $0x5;
	[sflag:s13] =	ssyncadd.s32 @!p3 $0xFFFFC000  }
0xb1: {  	_ =	swait.ge @!p3 [sflag:s0], $0x80  }
0xb2: {  	s14 =	simm.s32 @!p3 $0xC080;
	s2 =	simm.s32 @!p3 $0x4000;
	[sflag:s0] =	ssyncset.done @!p3 $0x0  }
0xb3: {  	s28 =	rddreg [dreg:$0x7];
	[sflag:s0] =	ssyncadd.s32 @!p3 $0xFFFFFF80;
	s0 =	simm.s32 @!p3 $0x80  }
0xb4: {  	[spmem:s3] =	stream.indirect.scatter.add.f32 @!p3 [tilespmem:s2], [sflag:$0x7], $0x80, s14, s0, $0xb8;
	[tilespmem:$0x1FDF8] =	vst v63  }
0xb5: {  	p2 =	sle.u32 s28, $0x0;
	s2 =	simm.s32 @!p3 $0xC200  }
0xb6: {  	[spmem:s4] =	stream.indirect.scatter.add.f32 @!p3 [tilespmem:s2], [sflag:$0x8], $0x1, s14, s0, $0xb8;
	[tilespmem:$0x1FDF8] =	vst v63  }
0xb7: {  	s0 =	simm.s32 @!p2 $0x7  }
0xb8: {  	_ =	swait.ge @!p2 [sflag:s0], $0x4000  }
0xb9: {  	s31 =	sld [smem:$0x7F3];
	_ =	sdelay $0x2  }
0xba: {  	p5 =	por @!p1 $0x1, $0x1;
	p3 =	por @p0 $0x0, $0x0;
	p4 =	seq.s32 s31, $0x1  }
0xbb: {  	p5 =	por @!p4 p3, p3;
	p3 =	por @!p0 $0x0, $0x0  }
0xbc: {  	p5 =	por @!p0 p3, p3  }
0xbd: {  	s1 =	simm.s32 @!p5 $0x0  }
0xbe: {  	[sflag:s0] =	ssyncset.done @!p2 $0x0;
	s1 =	simm.s32 @p5 $0x1  }
0xbf: {  	[sflag:s0] =	ssyncadd.s32 @!p2 $0xFFFFC000;
	s0 =	simm.s32 @!p2 $0x8;
	[smem:$0x7F0] =	sst s1  }
0xc0: {  	p6 =	sle.u32 s6, $0x3;
	p3 =	sle.u32 @!p2 s6, $0x3;
	_ =	swait.ge @!p2 [sflag:s0], $0x80  }
0xc1: {  	s20 =	simm.s32 $0x6;
	p3 =	por p3, p2;
	[sflag:s0] =	ssyncset.done @!p2 $0x0  }
0xc2: {  	s23 =	sadd.s32 $0x30, s7;
	[sflag:s0] =	ssyncadd.s32 @!p2 $0xFFFFFF80;
	s0 =	simm.s32 @!p3 $0x0  }
0xc3: {  	[tilespmem:s0], [sflag:$0x1] =	stream.linear.gather @!p3 [hbm4b:s10+s0], $0x4000, $0x38;
	[tilespmem:$0x1FDF8] =	vst v63  }
0xc4: {  	s25 =	sadd.s32 $0x30, s9;
	s28 =	simm.s32 @!p2 $0x3;
	s2 =	simm.s32 @!p3 $0xC000  }
0xc5: {  	[tilespmem:s2], [sflag:$0x4] =	stream.linear.gather @!p3 [hbm4b:s7+s0], $0x80, $0x38;
	[tilespmem:$0x1FDF8] =	vst v63  }
0xc6: {  	s24 =	simm.s32 $0x3;
	s26 =	simm.s32 $0x9;
	_ =	swait.ge @!p2 [sflag:s28], $0x4000  }
0xc7: {  	s13 =	sadd.s32 $0x1800, s11;
	s29 =	simm.s32 @!p2 $0x6;
	[sflag:s28] =	ssyncset.done @!p2 $0x0  }
0xc8: {  	s30 =	simm.s32 @!p2 $0x8000;
	s14 =	sadd.s32 $0x1800, s12;
	[sflag:s28] =	ssyncadd.s32 @!p2 $0xFFFFC000  }
0xc9: {  	s0 =	sadd.s32 $0x30, s8;
	s2 =	sadd.s32 $0x1800, s10;
	_ =	swait.ge @!p2 [sflag:s29], $0x80  }
.LBB2_2:
0xca: {  	p4 =	seq.s32 @!p6 s20, $0x3;
	[sflag:s29] =	ssyncset.done @!p2 $0x0;
	s31 =	simm.s32 @!p2 $0xC100  }
0xcb: {  	p3 =	por p4, p6;
	[sflag:s29] =	ssyncadd.s32 @!p2 $0xFFFFFF80;
	s29 =	simm.s32 @!p2 $0x80  }
0xcc: {  	[spmem:s3] =	stream.indirect.scatter.add.f32 @!p2 [tilespmem:s30], [sflag:$0x7], $0x80, s31, s29, $0xb8;
	[tilespmem:$0x1FDF8] =	vst v63  }
0xcd: {  	s22 =	simm.s32 @!p2 $0xC200;
	s30 =	simm.s32 @!p3 $0x7  }
0xce: {  	[spmem:s4] =	stream.indirect.scatter.add.f32 @!p2 [tilespmem:s22], [sflag:$0x8], $0x1, s31, s29, $0xb8;
	[tilespmem:$0x1FDF8] =	vst v63  }
0xcf: {  	_ =	swait.ge @!p3 [sflag:s30], $0x4000  }
0xd0: {  	s1 =	sadd.s32 @!p3 $0xFFFFFFFE, s20;
	[sflag:s30] =	ssyncset.done @!p3 $0x0  }
0xd1: {  	p2 =	sge.u32 @!p3 s1, s6;
	s1 =	simm.s32 @!p3 $0x8;
	[sflag:s30] =	ssyncadd.s32 @!p3 $0xFFFFC000  }
0xd2: {  	p2 =	por @!p6 p2, p4;
	_ =	swait.ge @!p3 [sflag:s1], $0x80  }
0xd3: {  	p2 =	por p2, p6;
	[sflag:s1] =	ssyncset.done @!p3 $0x0  }
0xd4: {  	s22 =	simm.s32 @!p2 $0x4000;
	[sflag:s1] =	ssyncadd.s32 @!p3 $0xFFFFFF80;
	s1 =	simm.s32 @!p2 $0x0  }
0xd5: {  	[tilespmem:s22], [sflag:$0x2] =	stream.linear.gather @!p2 [hbm4b:s14+s1], $0x4000, $0x38;
	[tilespmem:$0x1FDF8] =	vst v63  }
0xd6: {  	s29 =	simm.s32 @!p6 $0x1;
	s22 =	simm.s32 @!p2 $0xC080  }
0xd7: {  	[tilespmem:s22], [sflag:$0x5] =	stream.linear.gather @!p2 [hbm4b:s25+s1], $0x80, $0x38;
	[tilespmem:$0x1FDF8] =	vst v63  }
0xd8: {  	_ =	swait.ge @!p6 [sflag:s29], $0x4000  }
0xd9: {  	[sflag:s29] =	ssyncset.done @!p6 $0x0  }
0xda: {  	s1 =	simm.s32 @!p6 $0x4;
	[sflag:s29] =	ssyncadd.s32 @!p6 $0xFFFFC000  }
0xdb: {  	s30 =	simm.s32 @!p6 $0xC000;
	_ =	swait.ge @!p6 [sflag:s1], $0x80  }
0xdc: {  	s22 =	simm.s32 @!p6 $0x0;
	[sflag:s1] =	ssyncset.done @!p6 $0x0;
	s29 =	rddreg [dreg:$0x6]  }
0xdd: {  	[sflag:s1] =	ssyncadd.s32 @!p6 $0xFFFFFF80;
	s1 =	simm.s32 @!p6 $0x80;
	p3 =	sge.u32 s24, s29  }
0xde: {  	[spmem:s3] =	stream.indirect.scatter.add.f32 @!p6 [tilespmem:s22], [sflag:$0x7], $0x80, s30, s1, $0xb8;
	[tilespmem:$0x1FDF8] =	vst v63  }
0xdf: {  	p4 =	seq.s32 @!p3 s20, $0x3  }
0xe0: {  	p2 =	por p4, p3  }
0xe1: {  	s22 =	simm.s32 @!p6 $0xC200;
	s29 =	simm.s32 @!p2 $0x7  }
0xe2: {  	[spmem:s4] =	stream.indirect.scatter.add.f32 @!p6 [tilespmem:s22], [sflag:$0x8], $0x1, s30, s1, $0xb8;
	[tilespmem:$0x1FDF8] =	vst v63  }
0xe3: {  	_ =	swait.ge @!p2 [sflag:s29], $0x4000  }
0xe4: {  	s31 =	sadd.s32 @!p2 $0xFFFFFFFF, s20;
	[sflag:s29] =	ssyncset.done @!p2 $0x0  }
0xe5: {  	s1 =	simm.s32 @!p2 $0x8;
	p6 =	sge.u32 @!p2 s31, s6;
	[sflag:s29] =	ssyncadd.s32 @!p2 $0xFFFFC000  }
0xe6: {  	p4 =	por @!p3 p6, p4;
	_ =	swait.ge @!p2 [sflag:s1], $0x80  }
0xe7: {  	p4 =	por p4, p3;
	[sflag:s1] =	ssyncset.done @!p2 $0x0  }
0xe8: {  	s22 =	simm.s32 @!p4 $0x8000;
	[sflag:s1] =	ssyncadd.s32 @!p2 $0xFFFFFF80;
	s1 =	simm.s32 @!p4 $0x0  }
0xe9: {  	[tilespmem:s22], [sflag:$0x3] =	stream.linear.gather @!p4 [hbm4b:s13+s1], $0x4000, $0x38;
	[tilespmem:$0x1FDF8] =	vst v63  }
0xea: {  	s29 =	simm.s32 @!p3 $0x2;
	s22 =	simm.s32 @!p4 $0xC100  }
0xeb: {  	[tilespmem:s22], [sflag:$0x6] =	stream.linear.gather @!p4 [hbm4b:s0+s1], $0x80, $0x38;
	[tilespmem:$0x1FDF8] =	vst v63  }
0xec: {  	_ =	swait.ge @!p3 [sflag:s29], $0x4000  }
0xed: {  	[sflag:s29] =	ssyncset.done @!p3 $0x0  }
0xee: {  	s1 =	simm.s32 @!p3 $0x5;
	[sflag:s29] =	ssyncadd.s32 @!p3 $0xFFFFC000  }
0xef: {  	_ =	swait.ge @!p3 [sflag:s1], $0x80  }
0xf0: {  	s30 =	simm.s32 @!p3 $0xC080;
	s22 =	simm.s32 @!p3 $0x4000;
	[sflag:s1] =	ssyncset.done @!p3 $0x0  }
0xf1: {  	s29 =	rddreg [dreg:$0x7];
	[sflag:s1] =	ssyncadd.s32 @!p3 $0xFFFFFF80;
	s1 =	simm.s32 @!p3 $0x80  }
0xf2: {  	[spmem:s3] =	stream.indirect.scatter.add.f32 @!p3 [tilespmem:s22], [sflag:$0x7], $0x80, s30, s1, $0xb8;
	[tilespmem:$0x1FDF8] =	vst v63  }
0xf3: {  	p2 =	sge.u32 s24, s29;
	s22 =	simm.s32 @!p3 $0xC200  }
0xf4: {  	[spmem:s4] =	stream.indirect.scatter.add.f32 @!p3 [tilespmem:s22], [sflag:$0x8], $0x1, s30, s1, $0xb8;
	[tilespmem:$0x1FDF8] =	vst v63  }
0xf5: {  	s1 =	simm.s32 @!p2 $0x7  }
0xf6: {  	_ =	swait.ge @!p2 [sflag:s1], $0x4000  }
0xf7: {  	[sflag:s1] =	ssyncset.done @!p2 $0x0  }
0xf8: {  	[sflag:s1] =	ssyncadd.s32 @!p2 $0xFFFFC000;
	s1 =	simm.s32 @!p2 $0x8  }
0xf9: {  	s28 =	smov.u32 s26;
	p3 =	sge.u32 @!p2 s20, s6;
	_ =	swait.ge @!p2 [sflag:s1], $0x80  }
0xfa: {  	s26 =	sadd.s32 $0x3, s26;
	p3 =	por p3, p2;
	[sflag:s1] =	ssyncset.done @!p2 $0x0  }
0xfb: {  	p5 =	sne.s32 s26, $0x54;
	[sflag:s1] =	ssyncadd.s32 @!p2 $0xFFFFFF80;
	s1 =	simm.s32 @!p3 $0x0  }
0xfc: {  	[tilespmem:s1], [sflag:$0x1] =	stream.linear.gather @!p3 [hbm4b:s2+s1], $0x4000, $0x38;
	[tilespmem:$0x1FDF8] =	vst v63  }
0xfd: {  	s14 =	sadd.s32 $0x1800, s14;
	s25 =	sadd.s32 $0x30, s25;
	s22 =	simm.s32 @!p3 $0xC000  }
0xfe: {  	[tilespmem:s22], [sflag:$0x4] =	stream.linear.gather @!p3 [hbm4b:s23+s1], $0x80, $0x38;
	[tilespmem:$0x1FDF8] =	vst v63  }
.Ltmp2:
0xff: {  	s20 =	smov.u32 s28;
	s28 =	simm.s32 @!p2 $0x3;
	(pc) =	sbr.rel @p5 .LBB2_2-.Ltmp2, $4  }
0x100: {  	s13 =	sadd.s32 $0x1800, s13;
	s0 =	sadd.s32 $0x30, s0;
	_ =	swait.ge @!p2 [sflag:s28], $0x4000  }
0x101: {  	s29 =	simm.s32 @!p2 $0x6;
	s24 =	sadd.s32 $0xFFFFFFFD, s20;
	[sflag:s28] =	ssyncset.done @!p2 $0x0  }
0x102: {  	s30 =	simm.s32 @!p2 $0x8000;
	p6 =	sge.u32 s24, s6;
	[sflag:s28] =	ssyncadd.s32 @!p2 $0xFFFFC000  }
0x103: {  	s2 =	sadd.s32 $0x1800, s2;
	s23 =	sadd.s32 $0x30, s23;
	_ =	swait.ge @!p2 [sflag:s29], $0x80  }
0x104: {  	p4 =	seq.s32 @!p6 s20, $0x3;
	[sflag:s29] =	ssyncset.done @!p2 $0x0;
	s1 =	simm.s32 @!p2 $0xC100  }
0x105: {  	s22 =	simm.s32 @!p2 $0x80;
	p3 =	por p4, p6;
	[sflag:s29] =	ssyncadd.s32 @!p2 $0xFFFFFF80  }
0x106: {  	[spmem:s3] =	stream.indirect.scatter.add.f32 @!p2 [tilespmem:s30], [sflag:$0x7], $0x80, s1, s22, $0xb8;
	[tilespmem:$0x1FDF8] =	vst v63  }
0x107: {  	s28 =	simm.s32 @!p2 $0xC200;
	s26 =	simm.s32 @!p3 $0x7  }
0x108: {  	[spmem:s4] =	stream.indirect.scatter.add.f32 @!p2 [tilespmem:s28], [sflag:$0x8], $0x1, s1, s22, $0xb8;
	[tilespmem:$0x1FDF8] =	vst v63  }
0x109: {  	_ =	swait.ge @!p3 [sflag:s26], $0x4000  }
0x10a: {  	s1 =	sadd.s32 @!p3 $0xFFFFFFFE, s20;
	[sflag:s26] =	ssyncset.done @!p3 $0x0  }
0x10b: {  	p2 =	sge.u32 @!p3 s1, s6;
	s1 =	simm.s32 @!p3 $0x8;
	[sflag:s26] =	ssyncadd.s32 @!p3 $0xFFFFC000  }
0x10c: {  	p2 =	por @!p6 p2, p4;
	_ =	swait.ge @!p3 [sflag:s1], $0x80  }
0x10d: {  	p2 =	por p2, p6;
	[sflag:s1] =	ssyncset.done @!p3 $0x0  }
0x10e: {  	s22 =	simm.s32 @!p2 $0x4000;
	[sflag:s1] =	ssyncadd.s32 @!p3 $0xFFFFFF80;
	s1 =	simm.s32 @!p2 $0x0  }
0x10f: {  	[tilespmem:s22], [sflag:$0x2] =	stream.linear.gather @!p2 [hbm4b:s14+s1], $0x4000, $0x38;
	[tilespmem:$0x1FDF8] =	vst v63  }
0x110: {  	s14 =	simm.s32 @!p2 $0xC080;
	s22 =	simm.s32 @!p6 $0x1  }
0x111: {  	[tilespmem:s14], [sflag:$0x5] =	stream.linear.gather @!p2 [hbm4b:s25+s1], $0x80, $0x38;
	[tilespmem:$0x1FDF8] =	vst v63  }
0x112: {  	_ =	swait.ge @!p6 [sflag:s22], $0x4000  }
0x113: {  	[sflag:s22] =	ssyncset.done @!p6 $0x0  }
0x114: {  	s1 =	simm.s32 @!p6 $0x4;
	[sflag:s22] =	ssyncadd.s32 @!p6 $0xFFFFC000  }
0x115: {  	s14 =	simm.s32 @!p6 $0x0;
	_ =	swait.ge @!p6 [sflag:s1], $0x80  }
0x116: {  	s25 =	simm.s32 @!p6 $0xC000;
	[sflag:s1] =	ssyncset.done @!p6 $0x0;
	s28 =	rddreg [dreg:$0x6]  }
0x117: {  	[sflag:s1] =	ssyncadd.s32 @!p6 $0xFFFFFF80;
	s1 =	simm.s32 @!p6 $0x80;
	p2 =	sge.u32 s24, s28  }
0x118: {  	[spmem:s3] =	stream.indirect.scatter.add.f32 @!p6 [tilespmem:s14], [sflag:$0x7], $0x80, s25, s1, $0xb8;
	[tilespmem:$0x1FDF8] =	vst v63  }
0x119: {  	p3 =	seq.s32 @!p2 s20, $0x3  }
0x11a: {  	p4 =	por p3, p2  }
0x11b: {  	s14 =	simm.s32 @!p6 $0xC200;
	s22 =	simm.s32 @!p4 $0x7  }
0x11c: {  	[spmem:s4] =	stream.indirect.scatter.add.f32 @!p6 [tilespmem:s14], [sflag:$0x8], $0x1, s25, s1, $0xb8;
	[tilespmem:$0x1FDF8] =	vst v63  }
0x11d: {  	_ =	swait.ge @!p4 [sflag:s22], $0x4000  }
0x11e: {  	s1 =	sadd.s32 @!p4 $0xFFFFFFFF, s20;
	[sflag:s22] =	ssyncset.done @!p4 $0x0  }
0x11f: {  	p5 =	sge.u32 @!p4 s1, s6;
	s1 =	simm.s32 @!p4 $0x8;
	[sflag:s22] =	ssyncadd.s32 @!p4 $0xFFFFC000  }
0x120: {  	p3 =	por @!p2 p5, p3;
	_ =	swait.ge @!p4 [sflag:s1], $0x80  }
0x121: {  	p3 =	por p3, p2;
	[sflag:s1] =	ssyncset.done @!p4 $0x0  }
0x122: {  	s14 =	simm.s32 @!p3 $0x8000;
	[sflag:s1] =	ssyncadd.s32 @!p4 $0xFFFFFF80;
	s1 =	simm.s32 @!p3 $0x0  }
0x123: {  	[tilespmem:s14], [sflag:$0x3] =	stream.linear.gather @!p3 [hbm4b:s13+s1], $0x4000, $0x38;
	[tilespmem:$0x1FDF8] =	vst v63  }
0x124: {  	s13 =	simm.s32 @!p3 $0xC100;
	s14 =	simm.s32 @!p2 $0x2  }
0x125: {  	[tilespmem:s13], [sflag:$0x6] =	stream.linear.gather @!p3 [hbm4b:s0+s1], $0x80, $0x38;
	[tilespmem:$0x1FDF8] =	vst v63  }
0x126: {  	_ =	swait.ge @!p2 [sflag:s14], $0x4000  }
0x127: {  	[sflag:s14] =	ssyncset.done @!p2 $0x0  }
0x128: {  	s0 =	simm.s32 @!p2 $0x5;
	[sflag:s14] =	ssyncadd.s32 @!p2 $0xFFFFC000  }
0x129: {  	_ =	swait.ge @!p2 [sflag:s0], $0x80  }
0x12a: {  	s1 =	simm.s32 @!p2 $0x4000;
	s14 =	simm.s32 @!p2 $0xC080;
	[sflag:s0] =	ssyncset.done @!p2 $0x0  }
0x12b: {  	s29 =	rddreg [dreg:$0x7];
	[sflag:s0] =	ssyncadd.s32 @!p2 $0xFFFFFF80;
	s0 =	simm.s32 @!p2 $0x80  }
0x12c: {  	[spmem:s3] =	stream.indirect.scatter.add.f32 @!p2 [tilespmem:s1], [sflag:$0x7], $0x80, s14, s0, $0xb8;
	[tilespmem:$0x1FDF8] =	vst v63  }
0x12d: {  	p3 =	sge.u32 s24, s29;
	s1 =	simm.s32 @!p2 $0xC200  }
0x12e: {  	[spmem:s4] =	stream.indirect.scatter.add.f32 @!p2 [tilespmem:s1], [sflag:$0x8], $0x1, s14, s0, $0xb8;
	[tilespmem:$0x1FDF8] =	vst v63  }
0x12f: {  	s0 =	simm.s32 @!p3 $0x7  }
0x130: {  	_ =	swait.ge @!p3 [sflag:s0], $0x4000  }
0x131: {  	[sflag:s0] =	ssyncset.done @!p3 $0x0  }
0x132: {  	[sflag:s0] =	ssyncadd.s32 @!p3 $0xFFFFC000;
	s0 =	simm.s32 @!p3 $0x8  }
0x133: {  	p2 =	sge.u32 @!p3 s20, s6;
	_ =	swait.ge @!p3 [sflag:s0], $0x80  }
0x134: {  	p2 =	por p2, p3;
	[sflag:s0] =	ssyncset.done @!p3 $0x0  }
0x135: {  	[sflag:s0] =	ssyncadd.s32 @!p3 $0xFFFFFF80;
	s0 =	simm.s32 @!p2 $0x0  }
0x136: {  	[tilespmem:s0], [sflag:$0x1] =	stream.linear.gather @!p2 [hbm4b:s2+s0], $0x4000, $0x38;
	[tilespmem:$0x1FDF8] =	vst v63  }
0x137: {  	s1 =	simm.s32 @!p2 $0xC000;
	s2 =	simm.s32 @!p3 $0x3  }
0x138: {  	[tilespmem:s1], [sflag:$0x4] =	stream.linear.gather @!p2 [hbm4b:s23+s0], $0x80, $0x38;
	[tilespmem:$0x1FDF8] =	vst v63  }
0x139: {  	_ =	swait.ge @!p3 [sflag:s2], $0x4000  }
0x13a: {  	[sflag:s2] =	ssyncset.done @!p3 $0x0  }
0x13b: {  	s0 =	simm.s32 @!p3 $0x6;
	[sflag:s2] =	ssyncadd.s32 @!p3 $0xFFFFC000  }
0x13c: {  	_ =	swait.ge @!p3 [sflag:s0], $0x80  }
0x13d: {  	s1 =	simm.s32 @!p3 $0x8000;
	[sflag:s0] =	ssyncset.done @!p3 $0x0  }
0x13e: {  	s2 =	simm.s32 @!p3 $0xC100;
	[sflag:s0] =	ssyncadd.s32 @!p3 $0xFFFFFF80;
	s0 =	simm.s32 @!p3 $0x80  }
0x13f: {  	[spmem:s3] =	stream.indirect.scatter.add.f32 @!p3 [tilespmem:s1], [sflag:$0x7], $0x80, s2, s0, $0xb8;
	[tilespmem:$0x1FDF8] =	vst v63  }
0x140: {  	s1 =	simm.s32 @!p3 $0xC200  }
0x141: {  	[spmem:s4] =	stream.indirect.scatter.add.f32 @!p3 [tilespmem:s1], [sflag:$0x8], $0x1, s2, s0, $0xb8;
	[tilespmem:$0x1FDF8] =	vst v63  }
0x142: {  	_ =	swait.ge [sflag:s15], $0x4000  }
0x143: {  	[sflag:s15] =	ssyncset.done $0x0  }
0x144: {  	[sflag:s15] =	ssyncadd.s32 $0xFFFFC000  }
0x145: {  	_ =	swait.ge [sflag:s16], $0x80  }
0x146: {  	[sflag:s16] =	ssyncset.done $0x0  }
0x147: {  	[sflag:s16] =	ssyncadd.s32 $0xFFFFFF80  }
0x148: {  	_ =	swait.ge [sflag:s15], $0x4000  }
0x149: {  	[sflag:s15] =	ssyncset.done $0x0  }
0x14a: {  	[sflag:s15] =	ssyncadd.s32 $0xFFFFC000  }
0x14b: {  	_ =	swait.ge [sflag:s16], $0x80  }
0x14c: {  	[sflag:s16] =	ssyncset.done $0x0;
	s30 =	sld [smem:$0x7F5]  }
0x14d: {  	[sflag:s16] =	ssyncadd.s32 $0xFFFFFF80  }
0x14e: {  	[bflag:$0x0] =	sbarrier.arrive $0xFFFF  }
0x14f: {  	s24 =	stileid.u32;
	p2 =	seq.s32 s30, $0x1;
	s2 =	sld [smem:$0x7F6]  }
0x150: {  	s0 =	sshll.u32 @!p2 s24, $0x6  }
0x151: {  	s1 =	rddreg [dreg:$0x17];
	s0 =	sor.u32 @!p2 $0x1C09, s0  }
0x152: {  	[hbm:s1], [sflag:s0] =	dma.local @!p2 [spmem:s2], $0x7D00  }
0x153: {  	s0 =	simm.s32 @!p2 $0x9  }
0x154: {  	_ =	swait.ge @!p2 [sflag:s0], $0x7D00  }
0x155: {  	s31 =	sld [smem:$0x7F0];
	_ =	sdelay $0x1  }
0x156: {  	[sflag:s0] =	ssyncset.done @!p2 $0x0  }
0x157: {  	[sflag:s0] =	ssyncadd.s32 @!p2 $0xFFFF8300;
	p2 =	seq.s32 s31, $0x1  }
.Ltmp3:
0x158: {  	_ = 	snop;
	(pc) =	sbr.rel @!p2 .LBB2_5-.Ltmp3, $1  }
0x159: {  	_ =	sdelay $0x3  }
0x15a: {  	s0 =	rddreg [dreg:$0x18]  }
0x15b: {  	[tilespmem:s17], [sflag:$0x9] =	stream.linear.gather [spmem:s0], $0x80, $0x38;
	[tilespmem:$0x1FDF8] =	vst v63  }
0x15c: {  	_ =	swait.ge [sflag:s18], $0x80  }
0x15d: {  	[sflag:s18] =	ssyncset.done $0x0  }
0x15e: {  	s30 =	rddreg [dreg:$0x8];
	[sflag:s18] =	ssyncadd.s32 $0xFFFFFF80  }
0x15f: {  	[hbm4b:s30+s5] =	stream.linear.scatter [tilespmem:s17], [sflag:$0x9], $0x80, $0x38;
	[tilespmem:$0x1FDF8] =	vst v63  }
0x160: {  	_ =	swait.ge [sflag:s18], $0x80  }
0x161: {  	[sflag:s18] =	ssyncset.done $0x0  }
0x162: {  	s31 =	rddreg [dreg:$0x19];
	[sflag:s18] =	ssyncadd.s32 $0xFFFFFF80  }
0x163: {  	[tilespmem:s17], [sflag:$0x9] =	stream.linear.gather [spmem:s31], $0x80, $0x38;
	[tilespmem:$0x1FDF8] =	vst v63  }
0x164: {  	_ =	swait.ge [sflag:s18], $0x80  }
0x165: {  	[sflag:s18] =	ssyncset.done $0x0  }
0x166: {  	s1 =	rddreg [dreg:$0x9];
	[sflag:s18] =	ssyncadd.s32 $0xFFFFFF80  }
0x167: {  	[hbm4b:s1+s5] =	stream.linear.scatter [tilespmem:s17], [sflag:$0x9], $0x80, $0x38;
	[tilespmem:$0x1FDF8] =	vst v63  }
0x168: {  	_ =	swait.ge [sflag:s18], $0x80  }
0x169: {  	[sflag:s18] =	ssyncset.done $0x0  }
0x16a: {  	s2 =	rddreg [dreg:$0x1a];
	[sflag:s18] =	ssyncadd.s32 $0xFFFFFF80  }
0x16b: {  	[tilespmem:s17], [sflag:$0x9] =	stream.linear.gather [spmem:s2], $0x80, $0x38;
	[tilespmem:$0x1FDF8] =	vst v63  }
0x16c: {  	_ =	swait.ge [sflag:s18], $0x80  }
0x16d: {  	[sflag:s18] =	ssyncset.done $0x0  }
0x16e: {  	s13 =	rddreg [dreg:$0xa];
	[sflag:s18] =	ssyncadd.s32 $0xFFFFFF80  }
0x16f: {  	[hbm4b:s13+s5] =	stream.linear.scatter [tilespmem:s17], [sflag:$0x9], $0x80, $0x38;
	[tilespmem:$0x1FDF8] =	vst v63  }
0x170: {  	_ =	swait.ge [sflag:s18], $0x80  }
0x171: {  	[sflag:s18] =	ssyncset.done $0x0  }
0x172: {  	s14 =	rddreg [dreg:$0x1b];
	[sflag:s18] =	ssyncadd.s32 $0xFFFFFF80  }
0x173: {  	[tilespmem:s17], [sflag:$0x9] =	stream.linear.gather [spmem:s14], $0x80, $0x38;
	[tilespmem:$0x1FDF8] =	vst v63  }
0x174: {  	_ =	swait.ge [sflag:s18], $0x80  }
0x175: {  	[sflag:s18] =	ssyncset.done $0x0  }
0x176: {  	s20 =	rddreg [dreg:$0xb];
	[sflag:s18] =	ssyncadd.s32 $0xFFFFFF80  }
0x177: {  	[hbm4b:s20+s5] =	stream.linear.scatter [tilespmem:s17], [sflag:$0x9], $0x80, $0x38;
	[tilespmem:$0x1FDF8] =	vst v63  }
0x178: {  	_ =	swait.ge [sflag:s18], $0x80  }
0x179: {  	[sflag:s18] =	ssyncset.done $0x0  }
0x17a: {  	s22 =	rddreg [dreg:$0x1c];
	[sflag:s18] =	ssyncadd.s32 $0xFFFFFF80  }
0x17b: {  	[tilespmem:s17], [sflag:$0x9] =	stream.linear.gather [spmem:s22], $0x80, $0x38;
	[tilespmem:$0x1FDF8] =	vst v63  }
0x17c: {  	_ =	swait.ge [sflag:s18], $0x80  }
0x17d: {  	[sflag:s18] =	ssyncset.done $0x0  }
0x17e: {  	s23 =	rddreg [dreg:$0xc];
	[sflag:s18] =	ssyncadd.s32 $0xFFFFFF80  }
0x17f: {  	[hbm4b:s23+s5] =	stream.linear.scatter [tilespmem:s17], [sflag:$0x9], $0x80, $0x38;
	[tilespmem:$0x1FDF8] =	vst v63  }
0x180: {  	_ =	swait.ge [sflag:s18], $0x80  }
0x181: {  	[sflag:s18] =	ssyncset.done $0x0  }
0x182: {  	s25 =	rddreg [dreg:$0x1d];
	[sflag:s18] =	ssyncadd.s32 $0xFFFFFF80  }
0x183: {  	[tilespmem:s17], [sflag:$0x9] =	stream.linear.gather [spmem:s25], $0x80, $0x38;
	[tilespmem:$0x1FDF8] =	vst v63  }
0x184: {  	_ =	swait.ge [sflag:s18], $0x80  }
0x185: {  	[sflag:s18] =	ssyncset.done $0x0  }
0x186: {  	s26 =	rddreg [dreg:$0xd];
	[sflag:s18] =	ssyncadd.s32 $0xFFFFFF80  }
0x187: {  	[hbm4b:s26+s5] =	stream.linear.scatter [tilespmem:s17], [sflag:$0x9], $0x80, $0x38;
	[tilespmem:$0x1FDF8] =	vst v63  }
0x188: {  	_ =	swait.ge [sflag:s18], $0x80  }
0x189: {  	[sflag:s18] =	ssyncset.done $0x0  }
0x18a: {  	s28 =	rddreg [dreg:$0x1e];
	[sflag:s18] =	ssyncadd.s32 $0xFFFFFF80  }
0x18b: {  	[tilespmem:s17], [sflag:$0x9] =	stream.linear.gather [spmem:s28], $0x80, $0x38;
	[tilespmem:$0x1FDF8] =	vst v63  }
0x18c: {  	_ =	swait.ge [sflag:s18], $0x80  }
0x18d: {  	[sflag:s18] =	ssyncset.done $0x0  }
0x18e: {  	s29 =	rddreg [dreg:$0xe];
	[sflag:s18] =	ssyncadd.s32 $0xFFFFFF80  }
0x18f: {  	[hbm4b:s29+s5] =	stream.linear.scatter [tilespmem:s17], [sflag:$0x9], $0x80, $0x38;
	[tilespmem:$0x1FDF8] =	vst v63  }
0x190: {  	_ =	swait.ge [sflag:s18], $0x80  }
0x191: {  	[sflag:s18] =	ssyncset.done $0x0  }
0x192: {  	s30 =	rddreg [dreg:$0x1f];
	[sflag:s18] =	ssyncadd.s32 $0xFFFFFF80  }
0x193: {  	[tilespmem:s17], [sflag:$0x9] =	stream.linear.gather [spmem:s30], $0x68, $0x38;
	[tilespmem:$0x1FDF8] =	vst v63  }
0x194: {  	_ =	swait.ge [sflag:s18], $0x68  }
0x195: {  	[sflag:s18] =	ssyncset.done $0x0  }
.Ltmp4:
0x196: {  	s31 =	rddreg [dreg:$0xf];
	[sflag:s18] =	ssyncadd.s32 $0xFFFFFF98;
	(pc) =	sbr.rel .LBB2_5-.Ltmp4, $4  }
0x197: {  	[hbm4b:s31+s5] =	stream.linear.scatter [tilespmem:s17], [sflag:$0x9], $0x68, $0x38;
	[tilespmem:$0x1FDF8] =	vst v63  }
0x198: {  	_ =	swait.ge [sflag:s18], $0x68  }
0x199: {  	[sflag:s18] =	ssyncset.done $0x0  }
0x19a: {  	[sflag:s18] =	ssyncadd.s32 $0xFFFFFF98  }
.LBB2_6:
0x19b: {  	_ =	sfence.sel $0x180000  }
0x19c: {  	[bflag:$0x0] =	sbarrier.arrive $0xFFFF  }
0x19d: {  	_ =	strace $0x90000047  }
0x19e: {  	[bflag:$0x2] =	sbarrier.arrive $0xFFFF  }
0x19f: {  	p0 =	sne.s32 s24, $0x0;
	s0 =	rddreg [dreg:$0x5]  }
0x1a0: {  	s0 =	sadd.s32 @!p0 $0x100000, s0  }
0x1a1: {  	[sflag:s0] =	ssyncadd.tile.s32 @!p0 $0x1;
	_ =	shalt  }
.Lfunc_end2:
_tile_overlayer_lowered:
.L_overlay_start_2:
0x1a2: {  	(tag) =	ssettag $0x2  }
0x1a3: {  	s0 =	rddreg [dreg:$0x0];
	s2 =	stileid.u32  }
0x1a4: {  	s1 =	rddreg [dreg:$0x1];
	p0 =	sne.s32 s2, $0x0  }
0x1a5: {  	s3 =	rddreg [dreg:$0x2];
	[bflag:$0x3] =	sbarrier.arrive $0xFFFF;
	s2 =	simm.s32 @!p0 $0x1C09  }
0x1a6: {  	[timem:s3], [sflag:s2] =	dma.local @!p0 [hbm:s0], s1  }
0x1a7: {  	s0 =	simm.s32 @!p0 $0x9  }
0x1a8: {  	_ =	swait.ge @!p0 [sflag:s0], s1  }
0x1a9: {  	s1 =	ssub.s32 @!p0 $0x0, s1;
	[sflag:s0] =	ssyncset.done @!p0 $0x0  }
0x1aa: {  	[sflag:s0] =	ssyncadd.s32 @!p0 s1  }
0x1ab: {  	[bflag:$0x3] =	sbarrier.arrive $0xFFFF  }
0x1ac: {  	_ =	shalt  }

</sc_bundles>
